<compile_context>
chip_gen: v7x
topology: tpu7x:2x2x1
jax: 0.10.2.dev20260603
libtpu: 0.0.44.dev20260713+nightly
codegen_flags: <defaults>
</compile_context>

<pallas_src>
import jax
import jax.numpy as jnp
from jax import lax
from jax.experimental import pallas as pl
from jax.experimental.pallas import tpu as pltpu
from jax.experimental.pallas import tpu_sc as plsc

N_EXC = 100000
N_DST = 100000
EXC_DIM = 16

NC = 2
NS = 16
NW = NC * NS

N_PAD = 102400
RPT = N_PAD // NS
ZCH = 1600
CH = 2000
LANES = 16

BL = 5120
GRID = N_PAD // BL


def _sdot_body(lt_ref, u_ref, s_ref, ssum_ref):
    i = pl.program_id(0)
    x = lt_ref[...]
    e = jnp.exp(x)
    den = jnp.sum(e, axis=0)
    num = jnp.sum(e * u_ref[...], axis=0)
    s = num / den
    s_ref[...] = s

    @pl.when(i == 0)
    def _():
        ssum_ref[0, 0] = 0.0

    col = i * BL + lax.broadcasted_iota(jnp.int32, (BL,), 0)
    ssum_ref[0, 0] += jnp.sum(jnp.where(col < N_EXC, s, 0.0))


def _softmax_dot(logits_t, u):
    return pl.pallas_call(
        _sdot_body,
        grid=(GRID,),
        in_specs=[
            pl.BlockSpec((EXC_DIM, BL), lambda i: (0, i)),
            pl.BlockSpec((EXC_DIM, 1), lambda i: (0, 0)),
        ],
        out_specs=[
            pl.BlockSpec((BL,), lambda i: (i,)),
            pl.BlockSpec(memory_space=pltpu.SMEM),
        ],
        out_shape=[
            jax.ShapeDtypeStruct((N_EXC,), jnp.float32),
            jax.ShapeDtypeStruct((1, 1), jnp.float32),
        ],
    )(logits_t, u.reshape(EXC_DIM, 1))


def _edge_body(s_hbm, edges_hbm, out_hbm,
               s_v, idx_v, dst_v0, dst_v1, val_v0, val_v1, one_v, zv,
               sem_l, sem_s0, sem_s1, acc_sh, cnt_sh):
    cid = lax.axis_index("c")
    sid = lax.axis_index("s")
    wid = sid * NC + cid
    e_total = edges_hbm.shape[0] // 2
    epw = e_total // NW
    nch = epw // CH

    dst_v = (dst_v0, dst_v1)
    val_v = (val_v0, val_v1)
    sem_s = (sem_s0, sem_s1)

    zeros_f = jnp.zeros((LANES,), jnp.float32)
    ones_f = jnp.ones((LANES,), jnp.float32)

    def _zfill(j, _):
        zv[pl.ds(j * LANES, LANES)] = zeros_f
        return 0

    lax.fori_loop(0, ZCH // LANES, _zfill, 0)

    def _ofill(j, _):
        one_v[pl.ds(j * LANES, LANES)] = ones_f
        return 0

    lax.fori_loop(0, CH // LANES, _ofill, 0)

    for z in range(RPT // ZCH):
        r0 = sid * RPT + z * ZCH
        pltpu.sync_copy(zv, acc_sh.at[pl.ds(r0, ZCH)])
        pltpu.sync_copy(zv, cnt_sh.at[pl.ds(r0, ZCH)])

    pltpu.sync_copy(s_hbm, s_v)

    plsc.subcore_barrier()

    def _wait_scatters(b):
        pltpu.make_async_copy(val_v[b], acc_sh.at[dst_v[b]], sem_s[b]).wait()
        pltpu.make_async_copy(one_v, cnt_sh.at[dst_v[b]], sem_s[b]).wait()

    def _group(g, _):
        for b in range(2):
            c = 2 * g + b

            @pl.when(g > 0)
            def _():
                _wait_scatters(b)

            base = wid * epw + c * CH
            l1 = pltpu.async_copy(edges_hbm.at[pl.ds(base, CH)], idx_v, sem_l)
            l2 = pltpu.async_copy(
                edges_hbm.at[pl.ds(e_total + base, CH)], dst_v[b], sem_l)
            l1.wait()
            l2.wait()

            @plsc.parallel_loop(0, CH // LANES, unroll=5)
            def _gather(j):
                idx = idx_v[pl.ds(j * LANES, LANES)]
                val_v[b][pl.ds(j * LANES, LANES)] = plsc.load_gather(s_v, [idx])

            pltpu.async_copy(val_v[b], acc_sh.at[dst_v[b]], sem_s[b], add=True)
            pltpu.async_copy(one_v, cnt_sh.at[dst_v[b]], sem_s[b], add=True)
        return 0

    lax.fori_loop(0, nch // 2, _group, 0)
    _wait_scatters(0)
    _wait_scatters(1)

    plsc.subcore_barrier()

    for z in range(RPT // ZCH):
        r0 = sid * RPT + z * ZCH
        pltpu.sync_copy(acc_sh.at[pl.ds(r0, ZCH)], zv)
        pltpu.sync_copy(zv, out_hbm.at[pl.ds((cid * 2 + 0) * N_PAD + r0, ZCH)])
        pltpu.sync_copy(cnt_sh.at[pl.ds(r0, ZCH)], zv)
        pltpu.sync_copy(zv, out_hbm.at[pl.ds((cid * 2 + 1) * N_PAD + r0, ZCH)])


def _edge_pass(s, edges_flat):
    mesh = plsc.VectorSubcoreMesh(core_axis_name="c", subcore_axis_name="s")
    return pl.kernel(
        _edge_body,
        mesh=mesh,
        compiler_params=pltpu.CompilerParams(needs_layout_passes=False),
        out_type=jax.ShapeDtypeStruct((NC * 2 * N_PAD,), jnp.float32),
        scratch_types=[
            pltpu.VMEM((N_EXC,), jnp.float32),
            pltpu.VMEM((CH,), jnp.int32),
            pltpu.VMEM((CH,), jnp.int32),
            pltpu.VMEM((CH,), jnp.int32),
            pltpu.VMEM((CH,), jnp.float32),
            pltpu.VMEM((CH,), jnp.float32),
            pltpu.VMEM((CH,), jnp.float32),
            pltpu.VMEM((ZCH,), jnp.float32),
            pltpu.SemaphoreType.DMA,
            pltpu.SemaphoreType.DMA,
            pltpu.SemaphoreType.DMA,
            pltpu.VMEM_SHARED((N_PAD,), jnp.float32),
            pltpu.VMEM_SHARED((N_PAD,), jnp.float32),
        ],
    )(s, edges_flat)


def _gate_body(p_ref, mt_ref, ssum_ref, out_ref):
    p = p_ref[...]
    psum = p[0, 0, 0] + p[2, 0, 0]
    cnt = p[1, 0, 0] + p[3, 0, 0]
    mean_s = ssum_ref[0, 0] * (1.0 / N_EXC)
    x = jnp.where(cnt > 0.0, psum / jnp.maximum(cnt, 1.0), mean_s)
    g = 1.0 / (1.0 + jnp.exp(-x))
    out_ref[...] = (1.0 - g)[None, :] * mt_ref[...]


def _gate(parts4, m_rule_t, ssum):
    return pl.pallas_call(
        _gate_body,
        grid=(GRID,),
        in_specs=[
            pl.BlockSpec((4, 1, 1, BL), lambda i: (0, i, 0, 0)),
            pl.BlockSpec((3, BL), lambda i: (0, i)),
            pl.BlockSpec(memory_space=pltpu.SMEM),
        ],
        out_specs=pl.BlockSpec((3, BL), lambda i: (0, i)),
        out_shape=jax.ShapeDtypeStruct((3, N_DST), jnp.float32),
    )(parts4, m_rule_t, ssum)


@jax.jit
def kernel(logits, m_rule, edge_index, u):
    s, ssum = _softmax_dot(logits.T, u)
    edges_flat = edge_index.astype(jnp.int32).reshape(-1)
    parts = _edge_pass(s, edges_flat)
    parts4 = parts.reshape(4, GRID, 1, BL)
    return _gate(parts4, m_rule.T, ssum).T

# --- scband reference (transcript-rebuilt; emitter-appended) ---
"""Pipeline reference for scband-exception-gate-bank-87814901334225 (READ-ONLY COPY).

The authoritative reference and input builder live on the scoring server;
editing this copy changes nothing except your own understanding.
"""

import jax, jax.numpy as jnp
import numpy as np

N_EXC = 100000
N_DST = 100000
E = 3200000
EXC_DIM = 16
FACT_DIM = 3

def setup_inputs(seed: int = 0) -> dict:
    key = jax.random.key(seed)
    k1, k2, k3, k4 = jax.random.split(key, 4)
    logits = jax.random.normal(k1, (N_EXC, EXC_DIM), dtype=jnp.float32)
    m_rule = jax.random.normal(k2, (N_DST, FACT_DIM), dtype=jnp.float32)
    edge_index = jax.random.randint(k3, (2, E), 0, N_EXC, dtype=jnp.int64)
    # learned gate parameter u (nn.Parameter init normal std=0.01)
    u = jax.random.normal(k4, (EXC_DIM,), dtype=jnp.float32) * 0.01
    return {"logits": logits, "m_rule": m_rule, "edge_index": edge_index, "u": u}

def reference(logits, m_rule, edge_index, u):
    # apply_gates for one spec with dst_type='fact':
    # p_exc = softmax(logits); project exc probs to fact nodes via (exc, role_of, fact) edges
    p_exc = jax.nn.softmax(logits, axis=-1)
    n_dst = m_rule.shape[0]
    d = p_exc.shape[1]
    global_mean = jnp.broadcast_to(jnp.mean(p_exc, axis=0, keepdims=True), (n_dst, d))
    src = edge_index[0]
    dst = edge_index[1]
    # scatter-add p_exc[src] into fact slots, average per fact
    out = jnp.zeros((n_dst, d), dtype=p_exc.dtype).at[dst].add(p_exc[src])
    counts = jnp.zeros((n_dst,), dtype=p_exc.dtype).at[dst].add(jnp.ones((dst.shape[0],), dtype=p_exc.dtype))
    has = counts > 0
    avg = out / jnp.maximum(counts, 1.0)[:, None]
    p_exc_for_dst = jnp.where(has[:, None], avg, global_mean)
    # ExceptionGate: g = sigmoid(p_exc @ u); m' = (1 - g) * m_rule
    g = jax.nn.sigmoid(p_exc_for_dst @ u)[:, None]
    return (1.0 - g) * m_rule

if __name__ == "__main__":
    import jax
    _d = setup_inputs()
    print(jax.jit(kernel)(*tuple(_d.values())))

</pallas_src>

<mosaic_0001>
#map = affine_map<(d0, d1) -> (0)>
module attributes {stable_mosaic.version = 14 : i64} {
  func.func @_edge_body(%arg0: i32, %arg1: i32, %arg2: memref<100000xf32, #tpu.memory_space<hbm>>, %arg3: memref<6400000xi32, #tpu.memory_space<hbm>>, %arg4: memref<409600xf32, #tpu.memory_space<hbm>>, %arg5: memref<100000xf32, #tpu.memory_space<vmem>>, %arg6: memref<2000xi32, #tpu.memory_space<vmem>>, %arg7: memref<2000xi32, #tpu.memory_space<vmem>>, %arg8: memref<2000xi32, #tpu.memory_space<vmem>>, %arg9: memref<2000xf32, #tpu.memory_space<vmem>>, %arg10: memref<2000xf32, #tpu.memory_space<vmem>>, %arg11: memref<2000xf32, #tpu.memory_space<vmem>>, %arg12: memref<1600xf32, #tpu.memory_space<vmem>>, %arg13: memref<!tpu.dma_semaphore, #tpu.memory_space<semaphore_mem>>, %arg14: memref<!tpu.dma_semaphore, #tpu.memory_space<semaphore_mem>>, %arg15: memref<!tpu.dma_semaphore, #tpu.memory_space<semaphore_mem>>, %arg16: memref<102400xf32, #tpu.memory_space<vmem_shared>>, %arg17: memref<102400xf32, #tpu.memory_space<vmem_shared>>) attributes {dimension_semantics = [#tpu.dimension_semantics<core_parallel>, #tpu.dimension_semantics<subcore_parallel>], iteration_bounds = array<i64: 2, 16>, scalar_prefetch = 0 : i64, scratch_operands = 13 : i64, tpu.core_type = #tpu.core_type<sc_vector_subcore>, window_params = [{transform_indices = #map}, {transform_indices = #map}, {transform_indices = #map}]} {
    %mul3A = arith.constant 2 : i32
    %mul3A_0 = arith.muli %arg1, %mul3A : i32
    %add3A = arith.addi %mul3A_0, %arg0 : i32
    %broadcast_in_dim3A = arith.constant 0.000000e+00 : f32
    %broadcast_in_dim3A_1 = vector.broadcast %broadcast_in_dim3A : f32 to vector<16xf32>
    %broadcast_in_dim3A_2 = arith.constant 1.000000e+00 : f32
    %broadcast_in_dim3A_3 = vector.broadcast %broadcast_in_dim3A_2 : f32 to vector<16xf32>
    %scan3A = arith.constant 0 : i32
    %scan3A_4 = arith.constant 0 : i32
    %scan3A_5 = arith.constant 100 : i32
    %scan3A_6 = arith.addi %scan3A_4, %scan3A_5 : i32
    %scan3A_7 = arith.constant 1 : i32
    %scan3A_8 = scf.for %scan3A_120 = %scan3A_4 to %scan3A_6 step %scan3A_7 iter_args(%scan3A_121 = %scan3A) -> (i32)  : i32 {
      %mul3A_122 = arith.constant 16 : i32
      %mul3A_123 = arith.muli %scan3A_120, %mul3A_122 : i32
      %swap3A = arith.index_cast %mul3A_123 : i32 to index
      %swap3A_124 = tpu.vector_load %arg12[%swap3A] {strides = array<i32>} : memref<1600xf32, #tpu.memory_space<vmem>>, vector<16xf32>,
      tpu.vector_store %arg12[%swap3A], %broadcast_in_dim3A_1 {strides = array<i32>} : memref<1600xf32, #tpu.memory_space<vmem>>, vector<16xf32>,
      %scan3A_125 = arith.constant 0 : i32
      scf.yield %scan3A_125 : i32
    }
    %scan3A_9 = arith.constant 100 : i32
    %scan3A_10 = arith.constant 0 : i32
    %scan3A_11 = arith.constant 0 : i32
    %scan3A_12 = arith.constant 125 : i32
    %scan3A_13 = arith.addi %scan3A_11, %scan3A_12 : i32
    %scan3A_14 = arith.constant 1 : i32
    %scan3A_15 = scf.for %scan3A_120 = %scan3A_11 to %scan3A_13 step %scan3A_14 iter_args(%scan3A_121 = %scan3A_10) -> (i32)  : i32 {
      %mul3A_122 = arith.constant 16 : i32
      %mul3A_123 = arith.muli %scan3A_120, %mul3A_122 : i32
      %swap3A = arith.index_cast %mul3A_123 : i32 to index
      %swap3A_124 = tpu.vector_load %arg11[%swap3A] {strides = array<i32>} : memref<2000xf32, #tpu.memory_space<vmem>>, vector<16xf32>,
      tpu.vector_store %arg11[%swap3A], %broadcast_in_dim3A_3 {strides = array<i32>} : memref<2000xf32, #tpu.memory_space<vmem>>, vector<16xf32>,
      %scan3A_125 = arith.constant 0 : i32
      scf.yield %scan3A_125 : i32
    }
    %scan3A_16 = arith.constant 125 : i32
    %mul3A_17 = arith.constant 6400 : i32
    %mul3A_18 = arith.muli %arg1, %mul3A_17 : i32
    %add3A_19 = arith.constant 0 : i32
    %add3A_20 = arith.addi %mul3A_18, %add3A_19 : i32
    "tpu.region"() ({
      %run_scoped3A = tpu.sem_alloc : memref<!tpu.dma_semaphore, #tpu.memory_space<semaphore_mem>>
      %dma_start3A = tpu.memref_slice %arg16[%add3A_20] : memref<102400xf32, #tpu.memory_space<vmem_shared>> -> memref<1600xf32, #tpu.memory_space<vmem_shared>>
      %dma_start3A_120 = tpu.memref_slice %arg16[%add3A_20] : memref<102400xf32, #tpu.memory_space<vmem_shared>> -> memref<1600xf32, #tpu.memory_space<vmem_shared>>
      tpu.enqueue_dma source(%arg12 : memref<1600xf32, #tpu.memory_space<vmem>>) target(%dma_start3A_120 : memref<1600xf32, #tpu.memory_space<vmem_shared>>) target_semaphore(%run_scoped3A : memref<!tpu.dma_semaphore, #tpu.memory_space<semaphore_mem>>)
      %dma_wait3A_121 = tpu.memref_slice %arg16[%add3A_20] : memref<102400xf32, #tpu.memory_space<vmem_shared>> -> memref<1600xf32, #tpu.memory_space<vmem_shared>>
      %dma_wait3A_122 = tpu.memref_slice %arg16[%add3A_20] : memref<102400xf32, #tpu.memory_space<vmem_shared>> -> memref<1600xf32, #tpu.memory_space<vmem_shared>>
      tpu.wait_dma2 semaphore(%run_scoped3A : memref<!tpu.dma_semaphore, #tpu.memory_space<semaphore_mem>>) src(%arg12 : memref<1600xf32, #tpu.memory_space<vmem>>) dst(%dma_wait3A_122 : memref<1600xf32, #tpu.memory_space<vmem_shared>>)
      tpu.yield
    }) : () -> ()
    "tpu.region"() ({
      %run_scoped3A = tpu.sem_alloc : memref<!tpu.dma_semaphore, #tpu.memory_space<semaphore_mem>>
      %dma_start3A = tpu.memref_slice %arg17[%add3A_20] : memref<102400xf32, #tpu.memory_space<vmem_shared>> -> memref<1600xf32, #tpu.memory_space<vmem_shared>>
      %dma_start3A_120 = tpu.memref_slice %arg17[%add3A_20] : memref<102400xf32, #tpu.memory_space<vmem_shared>> -> memref<1600xf32, #tpu.memory_space<vmem_shared>>
      tpu.enqueue_dma source(%arg12 : memref<1600xf32, #tpu.memory_space<vmem>>) target(%dma_start3A_120 : memref<1600xf32, #tpu.memory_space<vmem_shared>>) target_semaphore(%run_scoped3A : memref<!tpu.dma_semaphore, #tpu.memory_space<semaphore_mem>>)
      %dma_wait3A_121 = tpu.memref_slice %arg17[%add3A_20] : memref<102400xf32, #tpu.memory_space<vmem_shared>> -> memref<1600xf32, #tpu.memory_space<vmem_shared>>
      %dma_wait3A_122 = tpu.memref_slice %arg17[%add3A_20] : memref<102400xf32, #tpu.memory_space<vmem_shared>> -> memref<1600xf32, #tpu.memory_space<vmem_shared>>
      tpu.wait_dma2 semaphore(%run_scoped3A : memref<!tpu.dma_semaphore, #tpu.memory_space<semaphore_mem>>) src(%arg12 : memref<1600xf32, #tpu.memory_space<vmem>>) dst(%dma_wait3A_122 : memref<1600xf32, #tpu.memory_space<vmem_shared>>)
      tpu.yield
    }) : () -> ()
    %mul3A_21 = arith.constant 6400 : i32
    %mul3A_22 = arith.muli %arg1, %mul3A_21 : i32
    %add3A_23 = arith.constant 1600 : i32
    %add3A_24 = arith.addi %mul3A_22, %add3A_23 : i32
    "tpu.region"() ({
      %run_scoped3A = tpu.sem_alloc : memref<!tpu.dma_semaphore, #tpu.memory_space<semaphore_mem>>
      %dma_start3A = tpu.memref_slice %arg16[%add3A_24] : memref<102400xf32, #tpu.memory_space<vmem_shared>> -> memref<1600xf32, #tpu.memory_space<vmem_shared>>
      %dma_start3A_120 = tpu.memref_slice %arg16[%add3A_24] : memref<102400xf32, #tpu.memory_space<vmem_shared>> -> memref<1600xf32, #tpu.memory_space<vmem_shared>>
      tpu.enqueue_dma source(%arg12 : memref<1600xf32, #tpu.memory_space<vmem>>) target(%dma_start3A_120 : memref<1600xf32, #tpu.memory_space<vmem_shared>>) target_semaphore(%run_scoped3A : memref<!tpu.dma_semaphore, #tpu.memory_space<semaphore_mem>>)
      %dma_wait3A_121 = tpu.memref_slice %arg16[%add3A_24] : memref<102400xf32, #tpu.memory_space<vmem_shared>> -> memref<1600xf32, #tpu.memory_space<vmem_shared>>
      %dma_wait3A_122 = tpu.memref_slice %arg16[%add3A_24] : memref<102400xf32, #tpu.memory_space<vmem_shared>> -> memref<1600xf32, #tpu.memory_space<vmem_shared>>
      tpu.wait_dma2 semaphore(%run_scoped3A : memref<!tpu.dma_semaphore, #tpu.memory_space<semaphore_mem>>) src(%arg12 : memref<1600xf32, #tpu.memory_space<vmem>>) dst(%dma_wait3A_122 : memref<1600xf32, #tpu.memory_space<vmem_shared>>)
      tpu.yield
    }) : () -> ()
    "tpu.region"() ({
      %run_scoped3A = tpu.sem_alloc : memref<!tpu.dma_semaphore, #tpu.memory_space<semaphore_mem>>
      %dma_start3A = tpu.memref_slice %arg17[%add3A_24] : memref<102400xf32, #tpu.memory_space<vmem_shared>> -> memref<1600xf32, #tpu.memory_space<vmem_shared>>
      %dma_start3A_120 = tpu.memref_slice %arg17[%add3A_24] : memref<102400xf32, #tpu.memory_space<vmem_shared>> -> memref<1600xf32, #tpu.memory_space<vmem_shared>>
      tpu.enqueue_dma source(%arg12 : memref<1600xf32, #tpu.memory_space<vmem>>) target(%dma_start3A_120 : memref<1600xf32, #tpu.memory_space<vmem_shared>>) target_semaphore(%run_scoped3A : memref<!tpu.dma_semaphore, #tpu.memory_space<semaphore_mem>>)
      %dma_wait3A_121 = tpu.memref_slice %arg17[%add3A_24] : memref<102400xf32, #tpu.memory_space<vmem_shared>> -> memref<1600xf32, #tpu.memory_space<vmem_shared>>
      %dma_wait3A_122 = tpu.memref_slice %arg17[%add3A_24] : memref<102400xf32, #tpu.memory_space<vmem_shared>> -> memref<1600xf32, #tpu.memory_space<vmem_shared>>
      tpu.wait_dma2 semaphore(%run_scoped3A : memref<!tpu.dma_semaphore, #tpu.memory_space<semaphore_mem>>) src(%arg12 : memref<1600xf32, #tpu.memory_space<vmem>>) dst(%dma_wait3A_122 : memref<1600xf32, #tpu.memory_space<vmem_shared>>)
      tpu.yield
    }) : () -> ()
    %mul3A_25 = arith.constant 6400 : i32
    %mul3A_26 = arith.muli %arg1, %mul3A_25 : i32
    %add3A_27 = arith.constant 3200 : i32
    %add3A_28 = arith.addi %mul3A_26, %add3A_27 : i32
    "tpu.region"() ({
      %run_scoped3A = tpu.sem_alloc : memref<!tpu.dma_semaphore, #tpu.memory_space<semaphore_mem>>
      %dma_start3A = tpu.memref_slice %arg16[%add3A_28] : memref<102400xf32, #tpu.memory_space<vmem_shared>> -> memref<1600xf32, #tpu.memory_space<vmem_shared>>
      %dma_start3A_120 = tpu.memref_slice %arg16[%add3A_28] : memref<102400xf32, #tpu.memory_space<vmem_shared>> -> memref<1600xf32, #tpu.memory_space<vmem_shared>>
      tpu.enqueue_dma source(%arg12 : memref<1600xf32, #tpu.memory_space<vmem>>) target(%dma_start3A_120 : memref<1600xf32, #tpu.memory_space<vmem_shared>>) target_semaphore(%run_scoped3A : memref<!tpu.dma_semaphore, #tpu.memory_space<semaphore_mem>>)
      %dma_wait3A_121 = tpu.memref_slice %arg16[%add3A_28] : memref<102400xf32, #tpu.memory_space<vmem_shared>> -> memref<1600xf32, #tpu.memory_space<vmem_shared>>
      %dma_wait3A_122 = tpu.memref_slice %arg16[%add3A_28] : memref<102400xf32, #tpu.memory_space<vmem_shared>> -> memref<1600xf32, #tpu.memory_space<vmem_shared>>
      tpu.wait_dma2 semaphore(%run_scoped3A : memref<!tpu.dma_semaphore, #tpu.memory_space<semaphore_mem>>) src(%arg12 : memref<1600xf32, #tpu.memory_space<vmem>>) dst(%dma_wait3A_122 : memref<1600xf32, #tpu.memory_space<vmem_shared>>)
      tpu.yield
    }) : () -> ()
    "tpu.region"() ({
      %run_scoped3A = tpu.sem_alloc : memref<!tpu.dma_semaphore, #tpu.memory_space<semaphore_mem>>
      %dma_start3A = tpu.memref_slice %arg17[%add3A_28] : memref<102400xf32, #tpu.memory_space<vmem_shared>> -> memref<1600xf32, #tpu.memory_space<vmem_shared>>
      %dma_start3A_120 = tpu.memref_slice %arg17[%add3A_28] : memref<102400xf32, #tpu.memory_space<vmem_shared>> -> memref<1600xf32, #tpu.memory_space<vmem_shared>>
      tpu.enqueue_dma source(%arg12 : memref<1600xf32, #tpu.memory_space<vmem>>) target(%dma_start3A_120 : memref<1600xf32, #tpu.memory_space<vmem_shared>>) target_semaphore(%run_scoped3A : memref<!tpu.dma_semaphore, #tpu.memory_space<semaphore_mem>>)
      %dma_wait3A_121 = tpu.memref_slice %arg17[%add3A_28] : memref<102400xf32, #tpu.memory_space<vmem_shared>> -> memref<1600xf32, #tpu.memory_space<vmem_shared>>
      %dma_wait3A_122 = tpu.memref_slice %arg17[%add3A_28] : memref<102400xf32, #tpu.memory_space<vmem_shared>> -> memref<1600xf32, #tpu.memory_space<vmem_shared>>
      tpu.wait_dma2 semaphore(%run_scoped3A : memref<!tpu.dma_semaphore, #tpu.memory_space<semaphore_mem>>) src(%arg12 : memref<1600xf32, #tpu.memory_space<vmem>>) dst(%dma_wait3A_122 : memref<1600xf32, #tpu.memory_space<vmem_shared>>)
      tpu.yield
    }) : () -> ()
    %mul3A_29 = arith.constant 6400 : i32
    %mul3A_30 = arith.muli %arg1, %mul3A_29 : i32
    %add3A_31 = arith.constant 4800 : i32
    %add3A_32 = arith.addi %mul3A_30, %add3A_31 : i32
    "tpu.region"() ({
      %run_scoped3A = tpu.sem_alloc : memref<!tpu.dma_semaphore, #tpu.memory_space<semaphore_mem>>
      %dma_start3A = tpu.memref_slice %arg16[%add3A_32] : memref<102400xf32, #tpu.memory_space<vmem_shared>> -> memref<1600xf32, #tpu.memory_space<vmem_shared>>
      %dma_start3A_120 = tpu.memref_slice %arg16[%add3A_32] : memref<102400xf32, #tpu.memory_space<vmem_shared>> -> memref<1600xf32, #tpu.memory_space<vmem_shared>>
      tpu.enqueue_dma source(%arg12 : memref<1600xf32, #tpu.memory_space<vmem>>) target(%dma_start3A_120 : memref<1600xf32, #tpu.memory_space<vmem_shared>>) target_semaphore(%run_scoped3A : memref<!tpu.dma_semaphore, #tpu.memory_space<semaphore_mem>>)
      %dma_wait3A_121 = tpu.memref_slice %arg16[%add3A_32] : memref<102400xf32, #tpu.memory_space<vmem_shared>> -> memref<1600xf32, #tpu.memory_space<vmem_shared>>
      %dma_wait3A_122 = tpu.memref_slice %arg16[%add3A_32] : memref<102400xf32, #tpu.memory_space<vmem_shared>> -> memref<1600xf32, #tpu.memory_space<vmem_shared>>
      tpu.wait_dma2 semaphore(%run_scoped3A : memref<!tpu.dma_semaphore, #tpu.memory_space<semaphore_mem>>) src(%arg12 : memref<1600xf32, #tpu.memory_space<vmem>>) dst(%dma_wait3A_122 : memref<1600xf32, #tpu.memory_space<vmem_shared>>)
      tpu.yield
    }) : () -> ()
    "tpu.region"() ({
      %run_scoped3A = tpu.sem_alloc : memref<!tpu.dma_semaphore, #tpu.memory_space<semaphore_mem>>
      %dma_start3A = tpu.memref_slice %arg17[%add3A_32] : memref<102400xf32, #tpu.memory_space<vmem_shared>> -> memref<1600xf32, #tpu.memory_space<vmem_shared>>
      %dma_start3A_120 = tpu.memref_slice %arg17[%add3A_32] : memref<102400xf32, #tpu.memory_space<vmem_shared>> -> memref<1600xf32, #tpu.memory_space<vmem_shared>>
      tpu.enqueue_dma source(%arg12 : memref<1600xf32, #tpu.memory_space<vmem>>) target(%dma_start3A_120 : memref<1600xf32, #tpu.memory_space<vmem_shared>>) target_semaphore(%run_scoped3A : memref<!tpu.dma_semaphore, #tpu.memory_space<semaphore_mem>>)
      %dma_wait3A_121 = tpu.memref_slice %arg17[%add3A_32] : memref<102400xf32, #tpu.memory_space<vmem_shared>> -> memref<1600xf32, #tpu.memory_space<vmem_shared>>
      %dma_wait3A_122 = tpu.memref_slice %arg17[%add3A_32] : memref<102400xf32, #tpu.memory_space<vmem_shared>> -> memref<1600xf32, #tpu.memory_space<vmem_shared>>
      tpu.wait_dma2 semaphore(%run_scoped3A : memref<!tpu.dma_semaphore, #tpu.memory_space<semaphore_mem>>) src(%arg12 : memref<1600xf32, #tpu.memory_space<vmem>>) dst(%dma_wait3A_122 : memref<1600xf32, #tpu.memory_space<vmem_shared>>)
      tpu.yield
    }) : () -> ()
    "tpu.region"() ({
      %run_scoped3A = tpu.sem_alloc : memref<!tpu.dma_semaphore, #tpu.memory_space<semaphore_mem>>
      tpu.enqueue_dma source(%arg2 : memref<100000xf32, #tpu.memory_space<hbm>>) target(%arg5 : memref<100000xf32, #tpu.memory_space<vmem>>) target_semaphore(%run_scoped3A : memref<!tpu.dma_semaphore, #tpu.memory_space<semaphore_mem>>)
      tpu.wait_dma2 semaphore(%run_scoped3A : memref<!tpu.dma_semaphore, #tpu.memory_space<semaphore_mem>>) src(%arg2 : memref<100000xf32, #tpu.memory_space<hbm>>) dst(%arg5 : memref<100000xf32, #tpu.memory_space<vmem>>)
      tpu.yield
    }) : () -> ()
    %barrier3A = arith.constant 0 : index
    tpu.barrier barrier_id(%barrier3A)
    %scan3A_33 = arith.constant 0 : i32
    %scan3A_34 = arith.constant 0 : i32
    %scan3A_35 = arith.constant 25 : i32
    %scan3A_36 = arith.addi %scan3A_34, %scan3A_35 : i32
    %scan3A_37 = arith.constant 1 : i32
    %scan3A_38 = scf.for %scan3A_120 = %scan3A_34 to %scan3A_36 step %scan3A_37 iter_args(%scan3A_121 = %scan3A_33) -> (i32)  : i32 {
      %mul3A_122 = arith.constant 2 : i32
      %mul3A_123 = arith.muli %mul3A_122, %scan3A_120 : i32
      %add3A_124 = arith.constant 0 : i32
      %add3A_125 = arith.addi %mul3A_123, %add3A_124 : i32
      %gt3A = arith.constant 0 : i32
      %gt3A_126 = arith.cmpi sgt, %scan3A_120, %gt3A : i32
      %convert_element_type3A = arith.extui %gt3A_126 : i1 to i32
      %cond3A = arith.constant 0 : i32
      %cond3A_127 = arith.cmpi ne, %convert_element_type3A, %cond3A : i32
      scf.if %cond3A_127 {
        %dma_wait3A_180 = arith.constant 0 : i32
        %dma_wait3A_181 = tpu.memref_slice %arg16[%dma_wait3A_180] : memref<102400xf32, #tpu.memory_space<vmem_shared>> -> memref<102400xf32, #tpu.memory_space<vmem_shared>>
        tpu.wait_indirect_dma semaphore(%arg14 : memref<!tpu.dma_semaphore, #tpu.memory_space<semaphore_mem>>) src(%arg9 : memref<2000xf32, #tpu.memory_space<vmem>>) dst(%dma_wait3A_181 : memref<102400xf32, #tpu.memory_space<vmem_shared>>)
        %dma_wait3A_182 = arith.constant 0 : i32
        %dma_wait3A_183 = tpu.memref_slice %arg17[%dma_wait3A_182] : memref<102400xf32, #tpu.memory_space<vmem_shared>> -> memref<102400xf32, #tpu.memory_space<vmem_shared>>
        tpu.wait_indirect_dma semaphore(%arg14 : memref<!tpu.dma_semaphore, #tpu.memory_space<semaphore_mem>>) src(%arg11 : memref<2000xf32, #tpu.memory_space<vmem>>) dst(%dma_wait3A_183 : memref<102400xf32, #tpu.memory_space<vmem_shared>>)
      } else {
      }
      %mul3A_128 = arith.constant 100000 : i32
      %mul3A_129 = arith.muli %add3A, %mul3A_128 : i32
      %mul3A_130 = arith.constant 2000 : i32
      %mul3A_131 = arith.muli %add3A_125, %mul3A_130 : i32
      %add3A_132 = arith.addi %mul3A_129, %mul3A_131 : i32
      %dma_start3A = tpu.memref_slice %arg3[%add3A_132] : memref<6400000xi32, #tpu.memory_space<hbm>> -> memref<2000xi32, #tpu.memory_space<hbm>>
      %dma_start3A_133 = tpu.memref_slice %arg3[%add3A_132] : memref<6400000xi32, #tpu.memory_space<hbm>> -> memref<2000xi32, #tpu.memory_space<hbm>>
      tpu.enqueue_dma source(%dma_start3A_133 : memref<2000xi32, #tpu.memory_space<hbm>>) target(%arg6 : memref<2000xi32, #tpu.memory_space<vmem>>) target_semaphore(%arg13 : memref<!tpu.dma_semaphore, #tpu.memory_space<semaphore_mem>>)
      %add3A_134 = arith.constant 3200000 : i32
      %add3A_135 = arith.addi %add3A_134, %add3A_132 : i32
      %dma_start3A_136 = tpu.memref_slice %arg3[%add3A_135] : memref<6400000xi32, #tpu.memory_space<hbm>> -> memref<2000xi32, #tpu.memory_space<hbm>>
      %dma_start3A_137 = tpu.memref_slice %arg3[%add3A_135] : memref<6400000xi32, #tpu.memory_space<hbm>> -> memref<2000xi32, #tpu.memory_space<hbm>>
      tpu.enqueue_dma source(%dma_start3A_137 : memref<2000xi32, #tpu.memory_space<hbm>>) target(%arg7 : memref<2000xi32, #tpu.memory_space<vmem>>) target_semaphore(%arg13 : memref<!tpu.dma_semaphore, #tpu.memory_space<semaphore_mem>>)
      %dma_wait3A_138 = tpu.memref_slice %arg3[%add3A_132] : memref<6400000xi32, #tpu.memory_space<hbm>> -> memref<2000xi32, #tpu.memory_space<hbm>>
      %dma_wait3A_139 = tpu.memref_slice %arg3[%add3A_132] : memref<6400000xi32, #tpu.memory_space<hbm>> -> memref<2000xi32, #tpu.memory_space<hbm>>
      tpu.wait_dma2 semaphore(%arg13 : memref<!tpu.dma_semaphore, #tpu.memory_space<semaphore_mem>>) src(%dma_wait3A_139 : memref<2000xi32, #tpu.memory_space<hbm>>) dst(%arg6 : memref<2000xi32, #tpu.memory_space<vmem>>)
      %dma_wait3A_140 = tpu.memref_slice %arg3[%add3A_135] : memref<6400000xi32, #tpu.memory_space<hbm>> -> memref<2000xi32, #tpu.memory_space<hbm>>
      %dma_wait3A_141 = tpu.memref_slice %arg3[%add3A_135] : memref<6400000xi32, #tpu.memory_space<hbm>> -> memref<2000xi32, #tpu.memory_space<hbm>>
      tpu.wait_dma2 semaphore(%arg13 : memref<!tpu.dma_semaphore, #tpu.memory_space<semaphore_mem>>) src(%dma_wait3A_141 : memref<2000xi32, #tpu.memory_space<hbm>>) dst(%arg7 : memref<2000xi32, #tpu.memory_space<vmem>>)
      %parallel_loop3A = arith.constant 0 : i32
      %parallel_loop3A_142 = arith.constant 125 : i32
      %parallel_loop3A_143 = arith.constant 1 : i32
      scf.for %parallel_loop3A_180 = %parallel_loop3A to %parallel_loop3A_142 step %parallel_loop3A_143  : i32 {
        %parallel_loop3A_181 = arith.constant 16 : i32
        %parallel_loop3A_182 = arith.muli %parallel_loop3A_180, %parallel_loop3A_181 : i32
        %parallel_loop3A_183 = arith.index_cast %parallel_loop3A_182 : i32 to index
        %parallel_loop3A_184 = tpu.vector_load %arg6[%parallel_loop3A_183] {strides = array<i32>} : memref<2000xi32, #tpu.memory_space<vmem>>, vector<16xi32>,
        %parallel_loop3A_185 = tpu.vector_load_idx %arg5[%parallel_loop3A_184] : memref<100000xf32, #tpu.memory_space<vmem>>[vector<16xi32>], vector<16xf32>,
        %parallel_loop3A_186 = arith.constant 16 : i32
        %parallel_loop3A_187 = arith.muli %parallel_loop3A_180, %parallel_loop3A_186 : i32
        %parallel_loop3A_188 = arith.index_cast %parallel_loop3A_187 : i32 to index
        %parallel_loop3A_189 = tpu.vector_load %arg9[%parallel_loop3A_188] {strides = array<i32>} : memref<2000xf32, #tpu.memory_space<vmem>>, vector<16xf32>,
        tpu.vector_store %arg9[%parallel_loop3A_188], %parallel_loop3A_185 {strides = array<i32>} : memref<2000xf32, #tpu.memory_space<vmem>>, vector<16xf32>,
      } {sc.loop_unroll_factor = 5 : i64, sc.parallel_access}
      %dma_start3A_144 = arith.constant 0 : i32
      %dma_start3A_145 = tpu.memref_slice %arg16[%dma_start3A_144] : memref<102400xf32, #tpu.memory_space<vmem_shared>> -> memref<102400xf32, #tpu.memory_space<vmem_shared>>
      tpu.enqueue_indirect_dma source(%arg9 : memref<2000xf32, #tpu.memory_space<vmem>>) target(%dma_start3A_145 : memref<102400xf32, #tpu.memory_space<vmem_shared>>) offsets(%arg7 : memref<2000xi32, #tpu.memory_space<vmem>>) semaphore(%arg14 : memref<!tpu.dma_semaphore, #tpu.memory_space<semaphore_mem>>) {add = true}
      %dma_start3A_146 = arith.constant 0 : i32
      %dma_start3A_147 = tpu.memref_slice %arg17[%dma_start3A_146] : memref<102400xf32, #tpu.memory_space<vmem_shared>> -> memref<102400xf32, #tpu.memory_space<vmem_shared>>
      tpu.enqueue_indirect_dma source(%arg11 : memref<2000xf32, #tpu.memory_space<vmem>>) target(%dma_start3A_147 : memref<102400xf32, #tpu.memory_space<vmem_shared>>) offsets(%arg7 : memref<2000xi32, #tpu.memory_space<vmem>>) semaphore(%arg14 : memref<!tpu.dma_semaphore, #tpu.memory_space<semaphore_mem>>) {add = true}
      %mul3A_148 = arith.constant 2 : i32
      %mul3A_149 = arith.muli %mul3A_148, %scan3A_120 : i32
      %add3A_150 = arith.constant 1 : i32
      %add3A_151 = arith.addi %mul3A_149, %add3A_150 : i32
      %gt3A_152 = arith.constant 0 : i32
      %gt3A_153 = arith.cmpi sgt, %scan3A_120, %gt3A_152 : i32
      %convert_element_type3A_154 = arith.extui %gt3A_153 : i1 to i32
      %cond3A_155 = arith.constant 0 : i32
      %cond3A_156 = arith.cmpi ne, %convert_element_type3A_154, %cond3A_155 : i32
      scf.if %cond3A_156 {
        %dma_wait3A_180 = arith.constant 0 : i32
        %dma_wait3A_181 = tpu.memref_slice %arg16[%dma_wait3A_180] : memref<102400xf32, #tpu.memory_space<vmem_shared>> -> memref<102400xf32, #tpu.memory_space<vmem_shared>>
        tpu.wait_indirect_dma semaphore(%arg15 : memref<!tpu.dma_semaphore, #tpu.memory_space<semaphore_mem>>) src(%arg10 : memref<2000xf32, #tpu.memory_space<vmem>>) dst(%dma_wait3A_181 : memref<102400xf32, #tpu.memory_space<vmem_shared>>)
        %dma_wait3A_182 = arith.constant 0 : i32
        %dma_wait3A_183 = tpu.memref_slice %arg17[%dma_wait3A_182] : memref<102400xf32, #tpu.memory_space<vmem_shared>> -> memref<102400xf32, #tpu.memory_space<vmem_shared>>
        tpu.wait_indirect_dma semaphore(%arg15 : memref<!tpu.dma_semaphore, #tpu.memory_space<semaphore_mem>>) src(%arg11 : memref<2000xf32, #tpu.memory_space<vmem>>) dst(%dma_wait3A_183 : memref<102400xf32, #tpu.memory_space<vmem_shared>>)
      } else {
      }
      %mul3A_157 = arith.constant 100000 : i32
      %mul3A_158 = arith.muli %add3A, %mul3A_157 : i32
      %mul3A_159 = arith.constant 2000 : i32
      %mul3A_160 = arith.muli %add3A_151, %mul3A_159 : i32
      %add3A_161 = arith.addi %mul3A_158, %mul3A_160 : i32
      %dma_start3A_162 = tpu.memref_slice %arg3[%add3A_161] : memref<6400000xi32, #tpu.memory_space<hbm>> -> memref<2000xi32, #tpu.memory_space<hbm>>
      %dma_start3A_163 = tpu.memref_slice %arg3[%add3A_161] : memref<6400000xi32, #tpu.memory_space<hbm>> -> memref<2000xi32, #tpu.memory_space<hbm>>
      tpu.enqueue_dma source(%dma_start3A_163 : memref<2000xi32, #tpu.memory_space<hbm>>) target(%arg6 : memref<2000xi32, #tpu.memory_space<vmem>>) target_semaphore(%arg13 : memref<!tpu.dma_semaphore, #tpu.memory_space<semaphore_mem>>)
      %add3A_164 = arith.constant 3200000 : i32
      %add3A_165 = arith.addi %add3A_164, %add3A_161 : i32
      %dma_start3A_166 = tpu.memref_slice %arg3[%add3A_165] : memref<6400000xi32, #tpu.memory_space<hbm>> -> memref<2000xi32, #tpu.memory_space<hbm>>
      %dma_start3A_167 = tpu.memref_slice %arg3[%add3A_165] : memref<6400000xi32, #tpu.memory_space<hbm>> -> memref<2000xi32, #tpu.memory_space<hbm>>
      tpu.enqueue_dma source(%dma_start3A_167 : memref<2000xi32, #tpu.memory_space<hbm>>) target(%arg8 : memref<2000xi32, #tpu.memory_space<vmem>>) target_semaphore(%arg13 : memref<!tpu.dma_semaphore, #tpu.memory_space<semaphore_mem>>)
      %dma_wait3A_168 = tpu.memref_slice %arg3[%add3A_161] : memref<6400000xi32, #tpu.memory_space<hbm>> -> memref<2000xi32, #tpu.memory_space<hbm>>
      %dma_wait3A_169 = tpu.memref_slice %arg3[%add3A_161] : memref<6400000xi32, #tpu.memory_space<hbm>> -> memref<2000xi32, #tpu.memory_space<hbm>>
      tpu.wait_dma2 semaphore(%arg13 : memref<!tpu.dma_semaphore, #tpu.memory_space<semaphore_mem>>) src(%dma_wait3A_169 : memref<2000xi32, #tpu.memory_space<hbm>>) dst(%arg6 : memref<2000xi32, #tpu.memory_space<vmem>>)
      %dma_wait3A_170 = tpu.memref_slice %arg3[%add3A_165] : memref<6400000xi32, #tpu.memory_space<hbm>> -> memref<2000xi32, #tpu.memory_space<hbm>>
      %dma_wait3A_171 = tpu.memref_slice %arg3[%add3A_165] : memref<6400000xi32, #tpu.memory_space<hbm>> -> memref<2000xi32, #tpu.memory_space<hbm>>
      tpu.wait_dma2 semaphore(%arg13 : memref<!tpu.dma_semaphore, #tpu.memory_space<semaphore_mem>>) src(%dma_wait3A_171 : memref<2000xi32, #tpu.memory_space<hbm>>) dst(%arg8 : memref<2000xi32, #tpu.memory_space<vmem>>)
      %parallel_loop3A_172 = arith.constant 0 : i32
      %parallel_loop3A_173 = arith.constant 125 : i32
      %parallel_loop3A_174 = arith.constant 1 : i32
      scf.for %parallel_loop3A_180 = %parallel_loop3A_172 to %parallel_loop3A_173 step %parallel_loop3A_174  : i32 {
        %parallel_loop3A_181 = arith.constant 16 : i32
        %parallel_loop3A_182 = arith.muli %parallel_loop3A_180, %parallel_loop3A_181 : i32
        %parallel_loop3A_183 = arith.index_cast %parallel_loop3A_182 : i32 to index
        %parallel_loop3A_184 = tpu.vector_load %arg6[%parallel_loop3A_183] {strides = array<i32>} : memref<2000xi32, #tpu.memory_space<vmem>>, vector<16xi32>,
        %parallel_loop3A_185 = tpu.vector_load_idx %arg5[%parallel_loop3A_184] : memref<100000xf32, #tpu.memory_space<vmem>>[vector<16xi32>], vector<16xf32>,
        %parallel_loop3A_186 = arith.constant 16 : i32
        %parallel_loop3A_187 = arith.muli %parallel_loop3A_180, %parallel_loop3A_186 : i32
        %parallel_loop3A_188 = arith.index_cast %parallel_loop3A_187 : i32 to index
        %parallel_loop3A_189 = tpu.vector_load %arg10[%parallel_loop3A_188] {strides = array<i32>} : memref<2000xf32, #tpu.memory_space<vmem>>, vector<16xf32>,
        tpu.vector_store %arg10[%parallel_loop3A_188], %parallel_loop3A_185 {strides = array<i32>} : memref<2000xf32, #tpu.memory_space<vmem>>, vector<16xf32>,
      } {sc.loop_unroll_factor = 5 : i64, sc.parallel_access}
      %dma_start3A_175 = arith.constant 0 : i32
      %dma_start3A_176 = tpu.memref_slice %arg16[%dma_start3A_175] : memref<102400xf32, #tpu.memory_space<vmem_shared>> -> memref<102400xf32, #tpu.memory_space<vmem_shared>>
      tpu.enqueue_indirect_dma source(%arg10 : memref<2000xf32, #tpu.memory_space<vmem>>) target(%dma_start3A_176 : memref<102400xf32, #tpu.memory_space<vmem_shared>>) offsets(%arg8 : memref<2000xi32, #tpu.memory_space<vmem>>) semaphore(%arg15 : memref<!tpu.dma_semaphore, #tpu.memory_space<semaphore_mem>>) {add = true}
      %dma_start3A_177 = arith.constant 0 : i32
      %dma_start3A_178 = tpu.memref_slice %arg17[%dma_start3A_177] : memref<102400xf32, #tpu.memory_space<vmem_shared>> -> memref<102400xf32, #tpu.memory_space<vmem_shared>>
      tpu.enqueue_indirect_dma source(%arg11 : memref<2000xf32, #tpu.memory_space<vmem>>) target(%dma_start3A_178 : memref<102400xf32, #tpu.memory_space<vmem_shared>>) offsets(%arg8 : memref<2000xi32, #tpu.memory_space<vmem>>) semaphore(%arg15 : memref<!tpu.dma_semaphore, #tpu.memory_space<semaphore_mem>>) {add = true}
      %scan3A_179 = arith.constant 0 : i32
      scf.yield %scan3A_179 : i32
    }
    %scan3A_39 = arith.constant 25 : i32
    %dma_wait3A = arith.constant 0 : i32
    %dma_wait3A_40 = tpu.memref_slice %arg16[%dma_wait3A] : memref<102400xf32, #tpu.memory_space<vmem_shared>> -> memref<102400xf32, #tpu.memory_space<vmem_shared>>
    tpu.wait_indirect_dma semaphore(%arg14 : memref<!tpu.dma_semaphore, #tpu.memory_space<semaphore_mem>>) src(%arg9 : memref<2000xf32, #tpu.memory_space<vmem>>) dst(%dma_wait3A_40 : memref<102400xf32, #tpu.memory_space<vmem_shared>>)
    %dma_wait3A_41 = arith.constant 0 : i32
    %dma_wait3A_42 = tpu.memref_slice %arg17[%dma_wait3A_41] : memref<102400xf32, #tpu.memory_space<vmem_shared>> -> memref<102400xf32, #tpu.memory_space<vmem_shared>>
    tpu.wait_indirect_dma semaphore(%arg14 : memref<!tpu.dma_semaphore, #tpu.memory_space<semaphore_mem>>) src(%arg11 : memref<2000xf32, #tpu.memory_space<vmem>>) dst(%dma_wait3A_42 : memref<102400xf32, #tpu.memory_space<vmem_shared>>)
    %dma_wait3A_43 = arith.constant 0 : i32
    %dma_wait3A_44 = tpu.memref_slice %arg16[%dma_wait3A_43] : memref<102400xf32, #tpu.memory_space<vmem_shared>> -> memref<102400xf32, #tpu.memory_space<vmem_shared>>
    tpu.wait_indirect_dma semaphore(%arg15 : memref<!tpu.dma_semaphore, #tpu.memory_space<semaphore_mem>>) src(%arg10 : memref<2000xf32, #tpu.memory_space<vmem>>) dst(%dma_wait3A_44 : memref<102400xf32, #tpu.memory_space<vmem_shared>>)
    %dma_wait3A_45 = arith.constant 0 : i32
    %dma_wait3A_46 = tpu.memref_slice %arg17[%dma_wait3A_45] : memref<102400xf32, #tpu.memory_space<vmem_shared>> -> memref<102400xf32, #tpu.memory_space<vmem_shared>>
    tpu.wait_indirect_dma semaphore(%arg15 : memref<!tpu.dma_semaphore, #tpu.memory_space<semaphore_mem>>) src(%arg11 : memref<2000xf32, #tpu.memory_space<vmem>>) dst(%dma_wait3A_46 : memref<102400xf32, #tpu.memory_space<vmem_shared>>)
    %barrier3A_47 = arith.constant 0 : index
    tpu.barrier barrier_id(%barrier3A_47)
    %mul3A_48 = arith.constant 6400 : i32
    %mul3A_49 = arith.muli %arg1, %mul3A_48 : i32
    %add3A_50 = arith.constant 0 : i32
    %add3A_51 = arith.addi %mul3A_49, %add3A_50 : i32
    "tpu.region"() ({
      %run_scoped3A = tpu.sem_alloc : memref<!tpu.dma_semaphore, #tpu.memory_space<semaphore_mem>>
      %dma_start3A = tpu.memref_slice %arg16[%add3A_51] : memref<102400xf32, #tpu.memory_space<vmem_shared>> -> memref<1600xf32, #tpu.memory_space<vmem_shared>>
      %dma_start3A_120 = tpu.memref_slice %arg16[%add3A_51] : memref<102400xf32, #tpu.memory_space<vmem_shared>> -> memref<1600xf32, #tpu.memory_space<vmem_shared>>
      tpu.enqueue_dma source(%dma_start3A_120 : memref<1600xf32, #tpu.memory_space<vmem_shared>>) target(%arg12 : memref<1600xf32, #tpu.memory_space<vmem>>) target_semaphore(%run_scoped3A : memref<!tpu.dma_semaphore, #tpu.memory_space<semaphore_mem>>)
      %dma_wait3A_121 = tpu.memref_slice %arg16[%add3A_51] : memref<102400xf32, #tpu.memory_space<vmem_shared>> -> memref<1600xf32, #tpu.memory_space<vmem_shared>>
      %dma_wait3A_122 = tpu.memref_slice %arg16[%add3A_51] : memref<102400xf32, #tpu.memory_space<vmem_shared>> -> memref<1600xf32, #tpu.memory_space<vmem_shared>>
      tpu.wait_dma2 semaphore(%run_scoped3A : memref<!tpu.dma_semaphore, #tpu.memory_space<semaphore_mem>>) src(%dma_wait3A_122 : memref<1600xf32, #tpu.memory_space<vmem_shared>>) dst(%arg12 : memref<1600xf32, #tpu.memory_space<vmem>>)
      tpu.yield
    }) : () -> ()
    %mul3A_52 = arith.constant 2 : i32
    %mul3A_53 = arith.muli %arg0, %mul3A_52 : i32
    %add3A_54 = arith.constant 0 : i32
    %add3A_55 = arith.addi %mul3A_53, %add3A_54 : i32
    %mul3A_56 = arith.constant 102400 : i32
    %mul3A_57 = arith.muli %add3A_55, %mul3A_56 : i32
    %add3A_58 = arith.addi %mul3A_57, %add3A_51 : i32
    "tpu.region"() ({
      %run_scoped3A = tpu.sem_alloc : memref<!tpu.dma_semaphore, #tpu.memory_space<semaphore_mem>>
      %dma_start3A = tpu.memref_slice %arg4[%add3A_58] : memref<409600xf32, #tpu.memory_space<hbm>> -> memref<1600xf32, #tpu.memory_space<hbm>>
      %dma_start3A_120 = tpu.memref_slice %arg4[%add3A_58] : memref<409600xf32, #tpu.memory_space<hbm>> -> memref<1600xf32, #tpu.memory_space<hbm>>
      tpu.enqueue_dma source(%arg12 : memref<1600xf32, #tpu.memory_space<vmem>>) target(%dma_start3A_120 : memref<1600xf32, #tpu.memory_space<hbm>>) target_semaphore(%run_scoped3A : memref<!tpu.dma_semaphore, #tpu.memory_space<semaphore_mem>>)
      %dma_wait3A_121 = tpu.memref_slice %arg4[%add3A_58] : memref<409600xf32, #tpu.memory_space<hbm>> -> memref<1600xf32, #tpu.memory_space<hbm>>
      %dma_wait3A_122 = tpu.memref_slice %arg4[%add3A_58] : memref<409600xf32, #tpu.memory_space<hbm>> -> memref<1600xf32, #tpu.memory_space<hbm>>
      tpu.wait_dma2 semaphore(%run_scoped3A : memref<!tpu.dma_semaphore, #tpu.memory_space<semaphore_mem>>) src(%arg12 : memref<1600xf32, #tpu.memory_space<vmem>>) dst(%dma_wait3A_122 : memref<1600xf32, #tpu.memory_space<hbm>>)
      tpu.yield
    }) : () -> ()
    "tpu.region"() ({
      %run_scoped3A = tpu.sem_alloc : memref<!tpu.dma_semaphore, #tpu.memory_space<semaphore_mem>>
      %dma_start3A = tpu.memref_slice %arg17[%add3A_51] : memref<102400xf32, #tpu.memory_space<vmem_shared>> -> memref<1600xf32, #tpu.memory_space<vmem_shared>>
      %dma_start3A_120 = tpu.memref_slice %arg17[%add3A_51] : memref<102400xf32, #tpu.memory_space<vmem_shared>> -> memref<1600xf32, #tpu.memory_space<vmem_shared>>
      tpu.enqueue_dma source(%dma_start3A_120 : memref<1600xf32, #tpu.memory_space<vmem_shared>>) target(%arg12 : memref<1600xf32, #tpu.memory_space<vmem>>) target_semaphore(%run_scoped3A : memref<!tpu.dma_semaphore, #tpu.memory_space<semaphore_mem>>)
      %dma_wait3A_121 = tpu.memref_slice %arg17[%add3A_51] : memref<102400xf32, #tpu.memory_space<vmem_shared>> -> memref<1600xf32, #tpu.memory_space<vmem_shared>>
      %dma_wait3A_122 = tpu.memref_slice %arg17[%add3A_51] : memref<102400xf32, #tpu.memory_space<vmem_shared>> -> memref<1600xf32, #tpu.memory_space<vmem_shared>>
      tpu.wait_dma2 semaphore(%run_scoped3A : memref<!tpu.dma_semaphore, #tpu.memory_space<semaphore_mem>>) src(%dma_wait3A_122 : memref<1600xf32, #tpu.memory_space<vmem_shared>>) dst(%arg12 : memref<1600xf32, #tpu.memory_space<vmem>>)
      tpu.yield
    }) : () -> ()
    %mul3A_59 = arith.constant 2 : i32
    %mul3A_60 = arith.muli %arg0, %mul3A_59 : i32
    %add3A_61 = arith.constant 1 : i32
    %add3A_62 = arith.addi %mul3A_60, %add3A_61 : i32
    %mul3A_63 = arith.constant 102400 : i32
    %mul3A_64 = arith.muli %add3A_62, %mul3A_63 : i32
    %add3A_65 = arith.addi %mul3A_64, %add3A_51 : i32
    "tpu.region"() ({
      %run_scoped3A = tpu.sem_alloc : memref<!tpu.dma_semaphore, #tpu.memory_space<semaphore_mem>>
      %dma_start3A = tpu.memref_slice %arg4[%add3A_65] : memref<409600xf32, #tpu.memory_space<hbm>> -> memref<1600xf32, #tpu.memory_space<hbm>>
      %dma_start3A_120 = tpu.memref_slice %arg4[%add3A_65] : memref<409600xf32, #tpu.memory_space<hbm>> -> memref<1600xf32, #tpu.memory_space<hbm>>
      tpu.enqueue_dma source(%arg12 : memref<1600xf32, #tpu.memory_space<vmem>>) target(%dma_start3A_120 : memref<1600xf32, #tpu.memory_space<hbm>>) target_semaphore(%run_scoped3A : memref<!tpu.dma_semaphore, #tpu.memory_space<semaphore_mem>>)
      %dma_wait3A_121 = tpu.memref_slice %arg4[%add3A_65] : memref<409600xf32, #tpu.memory_space<hbm>> -> memref<1600xf32, #tpu.memory_space<hbm>>
      %dma_wait3A_122 = tpu.memref_slice %arg4[%add3A_65] : memref<409600xf32, #tpu.memory_space<hbm>> -> memref<1600xf32, #tpu.memory_space<hbm>>
      tpu.wait_dma2 semaphore(%run_scoped3A : memref<!tpu.dma_semaphore, #tpu.memory_space<semaphore_mem>>) src(%arg12 : memref<1600xf32, #tpu.memory_space<vmem>>) dst(%dma_wait3A_122 : memref<1600xf32, #tpu.memory_space<hbm>>)
      tpu.yield
    }) : () -> ()
    %mul3A_66 = arith.constant 6400 : i32
    %mul3A_67 = arith.muli %arg1, %mul3A_66 : i32
    %add3A_68 = arith.constant 1600 : i32
    %add3A_69 = arith.addi %mul3A_67, %add3A_68 : i32
    "tpu.region"() ({
      %run_scoped3A = tpu.sem_alloc : memref<!tpu.dma_semaphore, #tpu.memory_space<semaphore_mem>>
      %dma_start3A = tpu.memref_slice %arg16[%add3A_69] : memref<102400xf32, #tpu.memory_space<vmem_shared>> -> memref<1600xf32, #tpu.memory_space<vmem_shared>>
      %dma_start3A_120 = tpu.memref_slice %arg16[%add3A_69] : memref<102400xf32, #tpu.memory_space<vmem_shared>> -> memref<1600xf32, #tpu.memory_space<vmem_shared>>
      tpu.enqueue_dma source(%dma_start3A_120 : memref<1600xf32, #tpu.memory_space<vmem_shared>>) target(%arg12 : memref<1600xf32, #tpu.memory_space<vmem>>) target_semaphore(%run_scoped3A : memref<!tpu.dma_semaphore, #tpu.memory_space<semaphore_mem>>)
      %dma_wait3A_121 = tpu.memref_slice %arg16[%add3A_69] : memref<102400xf32, #tpu.memory_space<vmem_shared>> -> memref<1600xf32, #tpu.memory_space<vmem_shared>>
      %dma_wait3A_122 = tpu.memref_slice %arg16[%add3A_69] : memref<102400xf32, #tpu.memory_space<vmem_shared>> -> memref<1600xf32, #tpu.memory_space<vmem_shared>>
      tpu.wait_dma2 semaphore(%run_scoped3A : memref<!tpu.dma_semaphore, #tpu.memory_space<semaphore_mem>>) src(%dma_wait3A_122 : memref<1600xf32, #tpu.memory_space<vmem_shared>>) dst(%arg12 : memref<1600xf32, #tpu.memory_space<vmem>>)
      tpu.yield
    }) : () -> ()
    %mul3A_70 = arith.constant 2 : i32
    %mul3A_71 = arith.muli %arg0, %mul3A_70 : i32
    %add3A_72 = arith.constant 0 : i32
    %add3A_73 = arith.addi %mul3A_71, %add3A_72 : i32
    %mul3A_74 = arith.constant 102400 : i32
    %mul3A_75 = arith.muli %add3A_73, %mul3A_74 : i32
    %add3A_76 = arith.addi %mul3A_75, %add3A_69 : i32
    "tpu.region"() ({
      %run_scoped3A = tpu.sem_alloc : memref<!tpu.dma_semaphore, #tpu.memory_space<semaphore_mem>>
      %dma_start3A = tpu.memref_slice %arg4[%add3A_76] : memref<409600xf32, #tpu.memory_space<hbm>> -> memref<1600xf32, #tpu.memory_space<hbm>>
      %dma_start3A_120 = tpu.memref_slice %arg4[%add3A_76] : memref<409600xf32, #tpu.memory_space<hbm>> -> memref<1600xf32, #tpu.memory_space<hbm>>
      tpu.enqueue_dma source(%arg12 : memref<1600xf32, #tpu.memory_space<vmem>>) target(%dma_start3A_120 : memref<1600xf32, #tpu.memory_space<hbm>>) target_semaphore(%run_scoped3A : memref<!tpu.dma_semaphore, #tpu.memory_space<semaphore_mem>>)
      %dma_wait3A_121 = tpu.memref_slice %arg4[%add3A_76] : memref<409600xf32, #tpu.memory_space<hbm>> -> memref<1600xf32, #tpu.memory_space<hbm>>
      %dma_wait3A_122 = tpu.memref_slice %arg4[%add3A_76] : memref<409600xf32, #tpu.memory_space<hbm>> -> memref<1600xf32, #tpu.memory_space<hbm>>
      tpu.wait_dma2 semaphore(%run_scoped3A : memref<!tpu.dma_semaphore, #tpu.memory_space<semaphore_mem>>) src(%arg12 : memref<1600xf32, #tpu.memory_space<vmem>>) dst(%dma_wait3A_122 : memref<1600xf32, #tpu.memory_space<hbm>>)
      tpu.yield
    }) : () -> ()
    "tpu.region"() ({
      %run_scoped3A = tpu.sem_alloc : memref<!tpu.dma_semaphore, #tpu.memory_space<semaphore_mem>>
      %dma_start3A = tpu.memref_slice %arg17[%add3A_69] : memref<102400xf32, #tpu.memory_space<vmem_shared>> -> memref<1600xf32, #tpu.memory_space<vmem_shared>>
      %dma_start3A_120 = tpu.memref_slice %arg17[%add3A_69] : memref<102400xf32, #tpu.memory_space<vmem_shared>> -> memref<1600xf32, #tpu.memory_space<vmem_shared>>
      tpu.enqueue_dma source(%dma_start3A_120 : memref<1600xf32, #tpu.memory_space<vmem_shared>>) target(%arg12 : memref<1600xf32, #tpu.memory_space<vmem>>) target_semaphore(%run_scoped3A : memref<!tpu.dma_semaphore, #tpu.memory_space<semaphore_mem>>)
      %dma_wait3A_121 = tpu.memref_slice %arg17[%add3A_69] : memref<102400xf32, #tpu.memory_space<vmem_shared>> -> memref<1600xf32, #tpu.memory_space<vmem_shared>>
      %dma_wait3A_122 = tpu.memref_slice %arg17[%add3A_69] : memref<102400xf32, #tpu.memory_space<vmem_shared>> -> memref<1600xf32, #tpu.memory_space<vmem_shared>>
      tpu.wait_dma2 semaphore(%run_scoped3A : memref<!tpu.dma_semaphore, #tpu.memory_space<semaphore_mem>>) src(%dma_wait3A_122 : memref<1600xf32, #tpu.memory_space<vmem_shared>>) dst(%arg12 : memref<1600xf32, #tpu.memory_space<vmem>>)
      tpu.yield
    }) : () -> ()
    %mul3A_77 = arith.constant 2 : i32
    %mul3A_78 = arith.muli %arg0, %mul3A_77 : i32
    %add3A_79 = arith.constant 1 : i32
    %add3A_80 = arith.addi %mul3A_78, %add3A_79 : i32
    %mul3A_81 = arith.constant 102400 : i32
    %mul3A_82 = arith.muli %add3A_80, %mul3A_81 : i32
    %add3A_83 = arith.addi %mul3A_82, %add3A_69 : i32
    "tpu.region"() ({
      %run_scoped3A = tpu.sem_alloc : memref<!tpu.dma_semaphore, #tpu.memory_space<semaphore_mem>>
      %dma_start3A = tpu.memref_slice %arg4[%add3A_83] : memref<409600xf32, #tpu.memory_space<hbm>> -> memref<1600xf32, #tpu.memory_space<hbm>>
      %dma_start3A_120 = tpu.memref_slice %arg4[%add3A_83] : memref<409600xf32, #tpu.memory_space<hbm>> -> memref<1600xf32, #tpu.memory_space<hbm>>
      tpu.enqueue_dma source(%arg12 : memref<1600xf32, #tpu.memory_space<vmem>>) target(%dma_start3A_120 : memref<1600xf32, #tpu.memory_space<hbm>>) target_semaphore(%run_scoped3A : memref<!tpu.dma_semaphore, #tpu.memory_space<semaphore_mem>>)
      %dma_wait3A_121 = tpu.memref_slice %arg4[%add3A_83] : memref<409600xf32, #tpu.memory_space<hbm>> -> memref<1600xf32, #tpu.memory_space<hbm>>
      %dma_wait3A_122 = tpu.memref_slice %arg4[%add3A_83] : memref<409600xf32, #tpu.memory_space<hbm>> -> memref<1600xf32, #tpu.memory_space<hbm>>
      tpu.wait_dma2 semaphore(%run_scoped3A : memref<!tpu.dma_semaphore, #tpu.memory_space<semaphore_mem>>) src(%arg12 : memref<1600xf32, #tpu.memory_space<vmem>>) dst(%dma_wait3A_122 : memref<1600xf32, #tpu.memory_space<hbm>>)
      tpu.yield
    }) : () -> ()
    %mul3A_84 = arith.constant 6400 : i32
    %mul3A_85 = arith.muli %arg1, %mul3A_84 : i32
    %add3A_86 = arith.constant 3200 : i32
    %add3A_87 = arith.addi %mul3A_85, %add3A_86 : i32
    "tpu.region"() ({
      %run_scoped3A = tpu.sem_alloc : memref<!tpu.dma_semaphore, #tpu.memory_space<semaphore_mem>>
      %dma_start3A = tpu.memref_slice %arg16[%add3A_87] : memref<102400xf32, #tpu.memory_space<vmem_shared>> -> memref<1600xf32, #tpu.memory_space<vmem_shared>>
      %dma_start3A_120 = tpu.memref_slice %arg16[%add3A_87] : memref<102400xf32, #tpu.memory_space<vmem_shared>> -> memref<1600xf32, #tpu.memory_space<vmem_shared>>
      tpu.enqueue_dma source(%dma_start3A_120 : memref<1600xf32, #tpu.memory_space<vmem_shared>>) target(%arg12 : memref<1600xf32, #tpu.memory_space<vmem>>) target_semaphore(%run_scoped3A : memref<!tpu.dma_semaphore, #tpu.memory_space<semaphore_mem>>)
      %dma_wait3A_121 = tpu.memref_slice %arg16[%add3A_87] : memref<102400xf32, #tpu.memory_space<vmem_shared>> -> memref<1600xf32, #tpu.memory_space<vmem_shared>>
      %dma_wait3A_122 = tpu.memref_slice %arg16[%add3A_87] : memref<102400xf32, #tpu.memory_space<vmem_shared>> -> memref<1600xf32, #tpu.memory_space<vmem_shared>>
      tpu.wait_dma2 semaphore(%run_scoped3A : memref<!tpu.dma_semaphore, #tpu.memory_space<semaphore_mem>>) src(%dma_wait3A_122 : memref<1600xf32, #tpu.memory_space<vmem_shared>>) dst(%arg12 : memref<1600xf32, #tpu.memory_space<vmem>>)
      tpu.yield
    }) : () -> ()
    %mul3A_88 = arith.constant 2 : i32
    %mul3A_89 = arith.muli %arg0, %mul3A_88 : i32
    %add3A_90 = arith.constant 0 : i32
    %add3A_91 = arith.addi %mul3A_89, %add3A_90 : i32
    %mul3A_92 = arith.constant 102400 : i32
    %mul3A_93 = arith.muli %add3A_91, %mul3A_92 : i32
    %add3A_94 = arith.addi %mul3A_93, %add3A_87 : i32
    "tpu.region"() ({
      %run_scoped3A = tpu.sem_alloc : memref<!tpu.dma_semaphore, #tpu.memory_space<semaphore_mem>>
      %dma_start3A = tpu.memref_slice %arg4[%add3A_94] : memref<409600xf32, #tpu.memory_space<hbm>> -> memref<1600xf32, #tpu.memory_space<hbm>>
      %dma_start3A_120 = tpu.memref_slice %arg4[%add3A_94] : memref<409600xf32, #tpu.memory_space<hbm>> -> memref<1600xf32, #tpu.memory_space<hbm>>
      tpu.enqueue_dma source(%arg12 : memref<1600xf32, #tpu.memory_space<vmem>>) target(%dma_start3A_120 : memref<1600xf32, #tpu.memory_space<hbm>>) target_semaphore(%run_scoped3A : memref<!tpu.dma_semaphore, #tpu.memory_space<semaphore_mem>>)
      %dma_wait3A_121 = tpu.memref_slice %arg4[%add3A_94] : memref<409600xf32, #tpu.memory_space<hbm>> -> memref<1600xf32, #tpu.memory_space<hbm>>
      %dma_wait3A_122 = tpu.memref_slice %arg4[%add3A_94] : memref<409600xf32, #tpu.memory_space<hbm>> -> memref<1600xf32, #tpu.memory_space<hbm>>
      tpu.wait_dma2 semaphore(%run_scoped3A : memref<!tpu.dma_semaphore, #tpu.memory_space<semaphore_mem>>) src(%arg12 : memref<1600xf32, #tpu.memory_space<vmem>>) dst(%dma_wait3A_122 : memref<1600xf32, #tpu.memory_space<hbm>>)
      tpu.yield
    }) : () -> ()
    "tpu.region"() ({
      %run_scoped3A = tpu.sem_alloc : memref<!tpu.dma_semaphore, #tpu.memory_space<semaphore_mem>>
      %dma_start3A = tpu.memref_slice %arg17[%add3A_87] : memref<102400xf32, #tpu.memory_space<vmem_shared>> -> memref<1600xf32, #tpu.memory_space<vmem_shared>>
      %dma_start3A_120 = tpu.memref_slice %arg17[%add3A_87] : memref<102400xf32, #tpu.memory_space<vmem_shared>> -> memref<1600xf32, #tpu.memory_space<vmem_shared>>
      tpu.enqueue_dma source(%dma_start3A_120 : memref<1600xf32, #tpu.memory_space<vmem_shared>>) target(%arg12 : memref<1600xf32, #tpu.memory_space<vmem>>) target_semaphore(%run_scoped3A : memref<!tpu.dma_semaphore, #tpu.memory_space<semaphore_mem>>)
      %dma_wait3A_121 = tpu.memref_slice %arg17[%add3A_87] : memref<102400xf32, #tpu.memory_space<vmem_shared>> -> memref<1600xf32, #tpu.memory_space<vmem_shared>>
      %dma_wait3A_122 = tpu.memref_slice %arg17[%add3A_87] : memref<102400xf32, #tpu.memory_space<vmem_shared>> -> memref<1600xf32, #tpu.memory_space<vmem_shared>>
      tpu.wait_dma2 semaphore(%run_scoped3A : memref<!tpu.dma_semaphore, #tpu.memory_space<semaphore_mem>>) src(%dma_wait3A_122 : memref<1600xf32, #tpu.memory_space<vmem_shared>>) dst(%arg12 : memref<1600xf32, #tpu.memory_space<vmem>>)
      tpu.yield
    }) : () -> ()
    %mul3A_95 = arith.constant 2 : i32
    %mul3A_96 = arith.muli %arg0, %mul3A_95 : i32
    %add3A_97 = arith.constant 1 : i32
    %add3A_98 = arith.addi %mul3A_96, %add3A_97 : i32
    %mul3A_99 = arith.constant 102400 : i32
    %mul3A_100 = arith.muli %add3A_98, %mul3A_99 : i32
    %add3A_101 = arith.addi %mul3A_100, %add3A_87 : i32
    "tpu.region"() ({
      %run_scoped3A = tpu.sem_alloc : memref<!tpu.dma_semaphore, #tpu.memory_space<semaphore_mem>>
      %dma_start3A = tpu.memref_slice %arg4[%add3A_101] : memref<409600xf32, #tpu.memory_space<hbm>> -> memref<1600xf32, #tpu.memory_space<hbm>>
      %dma_start3A_120 = tpu.memref_slice %arg4[%add3A_101] : memref<409600xf32, #tpu.memory_space<hbm>> -> memref<1600xf32, #tpu.memory_space<hbm>>
      tpu.enqueue_dma source(%arg12 : memref<1600xf32, #tpu.memory_space<vmem>>) target(%dma_start3A_120 : memref<1600xf32, #tpu.memory_space<hbm>>) target_semaphore(%run_scoped3A : memref<!tpu.dma_semaphore, #tpu.memory_space<semaphore_mem>>)
      %dma_wait3A_121 = tpu.memref_slice %arg4[%add3A_101] : memref<409600xf32, #tpu.memory_space<hbm>> -> memref<1600xf32, #tpu.memory_space<hbm>>
      %dma_wait3A_122 = tpu.memref_slice %arg4[%add3A_101] : memref<409600xf32, #tpu.memory_space<hbm>> -> memref<1600xf32, #tpu.memory_space<hbm>>
      tpu.wait_dma2 semaphore(%run_scoped3A : memref<!tpu.dma_semaphore, #tpu.memory_space<semaphore_mem>>) src(%arg12 : memref<1600xf32, #tpu.memory_space<vmem>>) dst(%dma_wait3A_122 : memref<1600xf32, #tpu.memory_space<hbm>>)
      tpu.yield
    }) : () -> ()
    %mul3A_102 = arith.constant 6400 : i32
    %mul3A_103 = arith.muli %arg1, %mul3A_102 : i32
    %add3A_104 = arith.constant 4800 : i32
    %add3A_105 = arith.addi %mul3A_103, %add3A_104 : i32
    "tpu.region"() ({
      %run_scoped3A = tpu.sem_alloc : memref<!tpu.dma_semaphore, #tpu.memory_space<semaphore_mem>>
      %dma_start3A = tpu.memref_slice %arg16[%add3A_105] : memref<102400xf32, #tpu.memory_space<vmem_shared>> -> memref<1600xf32, #tpu.memory_space<vmem_shared>>
      %dma_start3A_120 = tpu.memref_slice %arg16[%add3A_105] : memref<102400xf32, #tpu.memory_space<vmem_shared>> -> memref<1600xf32, #tpu.memory_space<vmem_shared>>
      tpu.enqueue_dma source(%dma_start3A_120 : memref<1600xf32, #tpu.memory_space<vmem_shared>>) target(%arg12 : memref<1600xf32, #tpu.memory_space<vmem>>) target_semaphore(%run_scoped3A : memref<!tpu.dma_semaphore, #tpu.memory_space<semaphore_mem>>)
      %dma_wait3A_121 = tpu.memref_slice %arg16[%add3A_105] : memref<102400xf32, #tpu.memory_space<vmem_shared>> -> memref<1600xf32, #tpu.memory_space<vmem_shared>>
      %dma_wait3A_122 = tpu.memref_slice %arg16[%add3A_105] : memref<102400xf32, #tpu.memory_space<vmem_shared>> -> memref<1600xf32, #tpu.memory_space<vmem_shared>>
      tpu.wait_dma2 semaphore(%run_scoped3A : memref<!tpu.dma_semaphore, #tpu.memory_space<semaphore_mem>>) src(%dma_wait3A_122 : memref<1600xf32, #tpu.memory_space<vmem_shared>>) dst(%arg12 : memref<1600xf32, #tpu.memory_space<vmem>>)
      tpu.yield
    }) : () -> ()
    %mul3A_106 = arith.constant 2 : i32
    %mul3A_107 = arith.muli %arg0, %mul3A_106 : i32
    %add3A_108 = arith.constant 0 : i32
    %add3A_109 = arith.addi %mul3A_107, %add3A_108 : i32
    %mul3A_110 = arith.constant 102400 : i32
    %mul3A_111 = arith.muli %add3A_109, %mul3A_110 : i32
    %add3A_112 = arith.addi %mul3A_111, %add3A_105 : i32
    "tpu.region"() ({
      %run_scoped3A = tpu.sem_alloc : memref<!tpu.dma_semaphore, #tpu.memory_space<semaphore_mem>>
      %dma_start3A = tpu.memref_slice %arg4[%add3A_112] : memref<409600xf32, #tpu.memory_space<hbm>> -> memref<1600xf32, #tpu.memory_space<hbm>>
      %dma_start3A_120 = tpu.memref_slice %arg4[%add3A_112] : memref<409600xf32, #tpu.memory_space<hbm>> -> memref<1600xf32, #tpu.memory_space<hbm>>
      tpu.enqueue_dma source(%arg12 : memref<1600xf32, #tpu.memory_space<vmem>>) target(%dma_start3A_120 : memref<1600xf32, #tpu.memory_space<hbm>>) target_semaphore(%run_scoped3A : memref<!tpu.dma_semaphore, #tpu.memory_space<semaphore_mem>>)
      %dma_wait3A_121 = tpu.memref_slice %arg4[%add3A_112] : memref<409600xf32, #tpu.memory_space<hbm>> -> memref<1600xf32, #tpu.memory_space<hbm>>
      %dma_wait3A_122 = tpu.memref_slice %arg4[%add3A_112] : memref<409600xf32, #tpu.memory_space<hbm>> -> memref<1600xf32, #tpu.memory_space<hbm>>
      tpu.wait_dma2 semaphore(%run_scoped3A : memref<!tpu.dma_semaphore, #tpu.memory_space<semaphore_mem>>) src(%arg12 : memref<1600xf32, #tpu.memory_space<vmem>>) dst(%dma_wait3A_122 : memref<1600xf32, #tpu.memory_space<hbm>>)
      tpu.yield
    }) : () -> ()
    "tpu.region"() ({
      %run_scoped3A = tpu.sem_alloc : memref<!tpu.dma_semaphore, #tpu.memory_space<semaphore_mem>>
      %dma_start3A = tpu.memref_slice %arg17[%add3A_105] : memref<102400xf32, #tpu.memory_space<vmem_shared>> -> memref<1600xf32, #tpu.memory_space<vmem_shared>>
      %dma_start3A_120 = tpu.memref_slice %arg17[%add3A_105] : memref<102400xf32, #tpu.memory_space<vmem_shared>> -> memref<1600xf32, #tpu.memory_space<vmem_shared>>
      tpu.enqueue_dma source(%dma_start3A_120 : memref<1600xf32, #tpu.memory_space<vmem_shared>>) target(%arg12 : memref<1600xf32, #tpu.memory_space<vmem>>) target_semaphore(%run_scoped3A : memref<!tpu.dma_semaphore, #tpu.memory_space<semaphore_mem>>)
      %dma_wait3A_121 = tpu.memref_slice %arg17[%add3A_105] : memref<102400xf32, #tpu.memory_space<vmem_shared>> -> memref<1600xf32, #tpu.memory_space<vmem_shared>>
      %dma_wait3A_122 = tpu.memref_slice %arg17[%add3A_105] : memref<102400xf32, #tpu.memory_space<vmem_shared>> -> memref<1600xf32, #tpu.memory_space<vmem_shared>>
      tpu.wait_dma2 semaphore(%run_scoped3A : memref<!tpu.dma_semaphore, #tpu.memory_space<semaphore_mem>>) src(%dma_wait3A_122 : memref<1600xf32, #tpu.memory_space<vmem_shared>>) dst(%arg12 : memref<1600xf32, #tpu.memory_space<vmem>>)
      tpu.yield
    }) : () -> ()
    %mul3A_113 = arith.constant 2 : i32
    %mul3A_114 = arith.muli %arg0, %mul3A_113 : i32
    %add3A_115 = arith.constant 1 : i32
    %add3A_116 = arith.addi %mul3A_114, %add3A_115 : i32
    %mul3A_117 = arith.constant 102400 : i32
    %mul3A_118 = arith.muli %add3A_116, %mul3A_117 : i32
    %add3A_119 = arith.addi %mul3A_118, %add3A_105 : i32
    "tpu.region"() ({
      %run_scoped3A = tpu.sem_alloc : memref<!tpu.dma_semaphore, #tpu.memory_space<semaphore_mem>>
      %dma_start3A = tpu.memref_slice %arg4[%add3A_119] : memref<409600xf32, #tpu.memory_space<hbm>> -> memref<1600xf32, #tpu.memory_space<hbm>>
      %dma_start3A_120 = tpu.memref_slice %arg4[%add3A_119] : memref<409600xf32, #tpu.memory_space<hbm>> -> memref<1600xf32, #tpu.memory_space<hbm>>
      tpu.enqueue_dma source(%arg12 : memref<1600xf32, #tpu.memory_space<vmem>>) target(%dma_start3A_120 : memref<1600xf32, #tpu.memory_space<hbm>>) target_semaphore(%run_scoped3A : memref<!tpu.dma_semaphore, #tpu.memory_space<semaphore_mem>>)
      %dma_wait3A_121 = tpu.memref_slice %arg4[%add3A_119] : memref<409600xf32, #tpu.memory_space<hbm>> -> memref<1600xf32, #tpu.memory_space<hbm>>
      %dma_wait3A_122 = tpu.memref_slice %arg4[%add3A_119] : memref<409600xf32, #tpu.memory_space<hbm>> -> memref<1600xf32, #tpu.memory_space<hbm>>
      tpu.wait_dma2 semaphore(%run_scoped3A : memref<!tpu.dma_semaphore, #tpu.memory_space<semaphore_mem>>) src(%arg12 : memref<1600xf32, #tpu.memory_space<vmem>>) dst(%dma_wait3A_122 : memref<1600xf32, #tpu.memory_space<hbm>>)
      tpu.yield
    }) : () -> ()
    return
  }
}

module attributes {stable_mosaic.version = 14 : i64} {
  func.func @_sdot_body(%arg0: i32, %arg1: memref<16x5120xf32, #tpu.memory_space<vmem>>, %arg2: memref<16x1xf32, #tpu.memory_space<vmem>>, %arg3: memref<5120xf32, #tpu.memory_space<vmem>>, %arg4: memref<1x1xf32, #tpu.memory_space<smem>>) attributes {dimension_semantics = [#tpu.dimension_semantics<arbitrary>], iteration_bounds = array<i64: 20>, scalar_prefetch = 0 : i64, scratch_operands = 0 : i64, tpu.core_type = #tpu.core_type<tc>, window_params = [{transform_indices = @transform_0, window_bounds = array<i64: 16, 5120>}, {pipeline_mode = #tpu.pipeline_mode<synchronous>, transform_indices = @transform_1, window_bounds = array<i64: 16, 1>}, {transform_indices = @transform_2, window_bounds = array<i64: 5120>}, {transform_indices = @transform_3, window_bounds = array<i64: 1, 1>}]} {
    %get3A = arith.constant 0 : index
    %get3A_0 = arith.constant 0 : index
    %get3A_1 = vector.load %arg1[%get3A, %get3A_0] : memref<16x5120xf32, #tpu.memory_space<vmem>>, vector<16x5120xf32>
    %exp3A = math.exp %get3A_1 : vector<16x5120xf32>
    %reduce_sum3A = arith.constant dense<0.000000e+00> : vector<5120xf32>
    %reduce_sum3A_2 = vector.multi_reduction <add>, %exp3A, %reduce_sum3A [0] : vector<16x5120xf32> to vector<5120xf32>
    %get3A_3 = arith.constant 0 : index
    %get3A_4 = arith.constant 0 : index
    %get3A_5 = vector.load %arg2[%get3A_3, %get3A_4] : memref<16x1xf32, #tpu.memory_space<vmem>>, vector<16x1xf32>
    %mul3A = vector.broadcast %get3A_5 : vector<16x1xf32> to vector<16x5120xf32>
    %mul3A_6 = arith.mulf %exp3A, %mul3A : vector<16x5120xf32>
    %reduce_sum3A_7 = arith.constant dense<0.000000e+00> : vector<5120xf32>
    %reduce_sum3A_8 = vector.multi_reduction <add>, %mul3A_6, %reduce_sum3A_7 [0] : vector<16x5120xf32> to vector<5120xf32>
    %div3A = arith.divf %reduce_sum3A_8, %reduce_sum3A_2 : vector<5120xf32>
    %swap3A = arith.constant 0 : index
    %swap3A_9 = vector.load %arg3[%swap3A] : memref<5120xf32, #tpu.memory_space<vmem>>, vector<5120xf32>
    tpu.vector_store %arg3[%swap3A], %div3A {strides = array<i32>} : memref<5120xf32, #tpu.memory_space<vmem>>, vector<5120xf32>,
    %eq3A = arith.constant 0 : i32
    %eq3A_10 = arith.cmpi eq, %arg0, %eq3A : i32
    %convert_element_type3A = arith.extui %eq3A_10 : i1 to i32
    %cond3A = arith.constant 0 : i32
    %cond3A_11 = arith.cmpi ne, %convert_element_type3A, %cond3A : i32
    scf.if %cond3A_11 {
      %swap3A_30 = arith.constant 0.000000e+00 : f32
      %swap3A_31 = arith.constant 0 : index
      %swap3A_32 = arith.constant 0 : index
      %swap3A_33 = memref.load %arg4[%swap3A_31, %swap3A_32] : memref<1x1xf32, #tpu.memory_space<smem>>
      memref.store %swap3A_30, %arg4[%swap3A_31, %swap3A_32] : memref<1x1xf32, #tpu.memory_space<smem>>
    } else {
    }
    %mul3A_12 = arith.constant 5120 : i32
    %mul3A_13 = arith.muli %arg0, %mul3A_12 : i32
    %iota3A = tpu.iota {dimensions = array<i32: 1>} : vector<1x5120xi32>
    %iota3A_14 = vector.shape_cast %iota3A : vector<1x5120xi32> to vector<5120xi32>
    %add3A = vector.broadcast %mul3A_13 : i32 to vector<5120xi32>
    %add3A_15 = arith.addi %add3A, %iota3A_14 : vector<5120xi32>
    %get3A_16 = arith.constant 0 : index
    %get3A_17 = arith.constant 0 : index
    %get3A_18 = memref.load %arg4[%get3A_16, %get3A_17] : memref<1x1xf32, #tpu.memory_space<smem>>
    %lt3A = arith.constant 100000 : i32
    %lt3A_19 = vector.broadcast %lt3A : i32 to vector<5120xi32>
    %lt3A_20 = arith.cmpi slt, %add3A_15, %lt3A_19 : vector<5120xi32>
    %jit3A = arith.constant 0.000000e+00 : f32
    %broadcast_in_dim3A = vector.broadcast %jit3A : f32 to vector<5120xf32>
    %select_n3A = arith.select %lt3A_20, %div3A, %broadcast_in_dim3A : vector<5120xi1>, vector<5120xf32>
    %reduce_sum3A_21 = vector.shape_cast %select_n3A : vector<5120xf32> to vector<1x5120xf32>
    %reduce_sum3A_22 = arith.constant dense<0.000000e+00> : vector<1xf32>
    %reduce_sum3A_23 = vector.multi_reduction <add>, %reduce_sum3A_21, %reduce_sum3A_22 [1] : vector<1x5120xf32> to vector<1xf32>
    %reduce_sum3A_24 = vector.shape_cast %reduce_sum3A_23 : vector<1xf32> to vector<1x1xf32>
    %reduce_sum3A_25 = vector.extract %reduce_sum3A_24[0, 0] : f32 from vector<1x1xf32>
    %add3A_26 = arith.addf %get3A_18, %reduce_sum3A_25 : f32
    %swap3A_27 = arith.constant 0 : index
    %swap3A_28 = arith.constant 0 : index
    %swap3A_29 = memref.load %arg4[%swap3A_27, %swap3A_28] : memref<1x1xf32, #tpu.memory_space<smem>>
    memref.store %add3A_26, %arg4[%swap3A_27, %swap3A_28] : memref<1x1xf32, #tpu.memory_space<smem>>
    return
  }
  func.func @transform_0(%arg0: i32) -> (i32, i32) {
    %c0_i32 = arith.constant 0 : i32
    %c0_i32_0 = arith.constant 0 : i32
    return %c0_i32, %arg0 : i32, i32
  }
  func.func @transform_1(%arg0: i32) -> (i32, i32) {
    %c0_i32 = arith.constant 0 : i32
    %c0_i32_0 = arith.constant 0 : i32
    %c0_i32_1 = arith.constant 0 : i32
    return %c0_i32, %c0_i32_0 : i32, i32
  }
  func.func @transform_2(%arg0: i32) -> i32 {
    %c0_i32 = arith.constant 0 : i32
    return %arg0 : i32
  }
  func.func @transform_3(%arg0: i32) -> (i32, i32) {
    %c0_i32 = arith.constant 0 : i32
    %c0_i32_0 = arith.constant 0 : i32
    %c0_i32_1 = arith.constant 0 : i32
    return %c0_i32, %c0_i32_0 : i32, i32
  }
}

module attributes {stable_mosaic.version = 14 : i64} {
  func.func @_gate_body(%arg0: i32, %arg1: memref<4x1x1x5120xf32, #tpu.memory_space<vmem>>, %arg2: memref<3x5120xf32, #tpu.memory_space<vmem>>, %arg3: memref<1x1xf32, #tpu.memory_space<smem>>, %arg4: memref<3x5120xf32, #tpu.memory_space<vmem>>) attributes {dimension_semantics = [#tpu.dimension_semantics<arbitrary>], iteration_bounds = array<i64: 20>, scalar_prefetch = 0 : i64, scratch_operands = 0 : i64, tpu.core_type = #tpu.core_type<tc>, window_params = [{transform_indices = @transform_0, window_bounds = array<i64: 4, 1, 1, 5120>}, {transform_indices = @transform_1, window_bounds = array<i64: 3, 5120>}, {transform_indices = @transform_2, window_bounds = array<i64: 1, 1>}, {transform_indices = @transform_3, window_bounds = array<i64: 3, 5120>}]} {
    %get3A = arith.constant 0 : index
    %get3A_0 = arith.constant 0 : index
    %get3A_1 = arith.constant 0 : index
    %get3A_2 = arith.constant 0 : index
    %get3A_3 = vector.load %arg1[%get3A, %get3A_0, %get3A_1, %get3A_2] : memref<4x1x1x5120xf32, #tpu.memory_space<vmem>>, vector<4x1x1x5120xf32>
    %slice3A = vector.extract_strided_slice %get3A_3 {offsets = [0, 0, 0, 0], sizes = [1, 1, 1, 5120], strides = [1, 1, 1, 1]} : vector<4x1x1x5120xf32> to vector<1x1x1x5120xf32>
    %squeeze3A = vector.shape_cast %slice3A : vector<1x1x1x5120xf32> to vector<5120xf32>
    %slice3A_4 = vector.extract_strided_slice %get3A_3 {offsets = [2, 0, 0, 0], sizes = [1, 1, 1, 5120], strides = [1, 1, 1, 1]} : vector<4x1x1x5120xf32> to vector<1x1x1x5120xf32>
    %squeeze3A_5 = vector.shape_cast %slice3A_4 : vector<1x1x1x5120xf32> to vector<5120xf32>
    %add3A = arith.addf %squeeze3A, %squeeze3A_5 : vector<5120xf32>
    %slice3A_6 = vector.extract_strided_slice %get3A_3 {offsets = [1, 0, 0, 0], sizes = [1, 1, 1, 5120], strides = [1, 1, 1, 1]} : vector<4x1x1x5120xf32> to vector<1x1x1x5120xf32>
    %squeeze3A_7 = vector.shape_cast %slice3A_6 : vector<1x1x1x5120xf32> to vector<5120xf32>
    %slice3A_8 = vector.extract_strided_slice %get3A_3 {offsets = [3, 0, 0, 0], sizes = [1, 1, 1, 5120], strides = [1, 1, 1, 1]} : vector<4x1x1x5120xf32> to vector<1x1x1x5120xf32>
    %squeeze3A_9 = vector.shape_cast %slice3A_8 : vector<1x1x1x5120xf32> to vector<5120xf32>
    %add3A_10 = arith.addf %squeeze3A_7, %squeeze3A_9 : vector<5120xf32>
    %get3A_11 = arith.constant 0 : index
    %get3A_12 = arith.constant 0 : index
    %get3A_13 = memref.load %arg3[%get3A_11, %get3A_12] : memref<1x1xf32, #tpu.memory_space<smem>>
    %mul3A = arith.constant 9.99999974E-6 : f32
    %mul3A_14 = arith.mulf %get3A_13, %mul3A : f32
    %gt3A = arith.constant 0.000000e+00 : f32
    %gt3A_15 = vector.broadcast %gt3A : f32 to vector<5120xf32>
    %gt3A_16 = arith.cmpf ogt, %add3A_10, %gt3A_15 : vector<5120xf32>
    %max3A = arith.constant 1.000000e+00 : f32
    %max3A_17 = vector.broadcast %max3A : f32 to vector<5120xf32>
    %max3A_18 = arith.maximumf %add3A_10, %max3A_17 : vector<5120xf32>
    %div3A = arith.divf %add3A, %max3A_18 : vector<5120xf32>
    %broadcast_in_dim3A = vector.broadcast %mul3A_14 : f32 to vector<5120xf32>
    %select_n3A = arith.select %gt3A_16, %div3A, %broadcast_in_dim3A : vector<5120xi1>, vector<5120xf32>
    %neg3A = arith.constant 0.000000e+00 : f32
    %neg3A_19 = vector.broadcast %neg3A : f32 to vector<5120xf32>
    %neg3A_20 = arith.subf %neg3A_19, %select_n3A : vector<5120xf32>
    %exp3A = math.exp %neg3A_20 : vector<5120xf32>
    %add3A_21 = arith.constant 1.000000e+00 : f32
    %add3A_22 = vector.broadcast %add3A_21 : f32 to vector<5120xf32>
    %add3A_23 = arith.addf %add3A_22, %exp3A : vector<5120xf32>
    %div3A_24 = arith.constant 1.000000e+00 : f32
    %div3A_25 = vector.broadcast %div3A_24 : f32 to vector<5120xf32>
    %div3A_26 = arith.divf %div3A_25, %add3A_23 : vector<5120xf32>
    %sub3A = arith.constant 1.000000e+00 : f32
    %sub3A_27 = vector.broadcast %sub3A : f32 to vector<5120xf32>
    %sub3A_28 = arith.subf %sub3A_27, %div3A_26 : vector<5120xf32>
    %broadcast_in_dim3A_29 = vector.shape_cast %sub3A_28 : vector<5120xf32> to vector<1x5120xf32>
    %get3A_30 = arith.constant 0 : index
    %get3A_31 = arith.constant 0 : index
    %get3A_32 = vector.load %arg2[%get3A_30, %get3A_31] : memref<3x5120xf32, #tpu.memory_space<vmem>>, vector<3x5120xf32>
    %mul3A_33 = vector.broadcast %broadcast_in_dim3A_29 : vector<1x5120xf32> to vector<3x5120xf32>
    %mul3A_34 = arith.mulf %mul3A_33, %get3A_32 : vector<3x5120xf32>
    %swap3A = arith.constant 0 : index
    %swap3A_35 = arith.constant 0 : index
    %swap3A_36 = vector.load %arg4[%swap3A, %swap3A_35] : memref<3x5120xf32, #tpu.memory_space<vmem>>, vector<3x5120xf32>
    tpu.vector_store %arg4[%swap3A, %swap3A_35], %mul3A_34 {strides = array<i32>} : memref<3x5120xf32, #tpu.memory_space<vmem>>, vector<3x5120xf32>,
    return
  }
  func.func @transform_0(%arg0: i32) -> (i32, i32, i32, i32) {
    %c0_i32 = arith.constant 0 : i32
    %c0_i32_0 = arith.constant 0 : i32
    %c0_i32_1 = arith.constant 0 : i32
    %c0_i32_2 = arith.constant 0 : i32
    return %c0_i32, %arg0, %c0_i32_0, %c0_i32_1 : i32, i32, i32, i32
  }
  func.func @transform_1(%arg0: i32) -> (i32, i32) {
    %c0_i32 = arith.constant 0 : i32
    %c0_i32_0 = arith.constant 0 : i32
    return %c0_i32, %arg0 : i32, i32
  }
  func.func @transform_2(%arg0: i32) -> (i32, i32) {
    %c0_i32 = arith.constant 0 : i32
    %c0_i32_0 = arith.constant 0 : i32
    %c0_i32_1 = arith.constant 0 : i32
    return %c0_i32, %c0_i32_0 : i32, i32
  }
  func.func @transform_3(%arg0: i32) -> (i32, i32) {
    %c0_i32 = arith.constant 0 : i32
    %c0_i32_0 = arith.constant 0 : i32
    return %c0_i32, %arg0 : i32, i32
  }
}

</mosaic_0001>

<sc_bundles>
// kernel: kernel.5.cloned.1.call-start
scs
__scs_entry_jumppad:
0x0: {  	(pc) =	sbr.rel $0x88, $3  }
0x1: {  	(tag) =	ssettag $0x0;
	lr =	simm.s32 $0x1  }
0x2: {  	[smem:$0x3F9D] =	sst lr;
	_ =	strace $0xD0000000  }
0x3: {  	_ = 	snop  }
0x4: {  	_ = 	snop  }
0x5: {  	_ = 	snop  }
0x6: {  	_ = 	snop  }
0x7: {  	_ = 	snop  }
__scs_overlays_trampoline_lowered:
0x8: {  	[smem:$0x3FAC] =	sst s0  }
0x9: {  	[smem:$0x3FAD] =	sst s1  }
0xa: {  	[smem:$0x3FAE] =	sst s2  }
0xb: {  	[smem:$0x3FAF] =	sst s3  }
0xc: {  	[smem:$0x3FB0] =	sst s4  }
0xd: {  	[smem:$0x3FB1] =	sst s5  }
0xe: {  	[smem:$0x3FB2] =	sst s6  }
0xf: {  	[smem:$0x3FB3] =	sst s7  }
0x10: {  	[smem:$0x3FB4] =	sst s8  }
0x11: {  	[smem:$0x3FB5] =	sst s9;
	s0 =	simm.s32 @!p0 $0x0  }
0x12: {  	s1 =	sld [smem:$0x3F9B];
	s0 =	simm.s32 @p0 $0x1  }
0x13: {  	[smem:$0x3FB6] =	sst s0;
	s0 =	simm.s32 @!p1 $0x0  }
0x14: {  	s2 =	sld [smem:$0x3F9A];
	s0 =	simm.s32 @p1 $0x1  }
0x15: {  	[smem:$0x3FB7] =	sst s0;
	s0 =	simm.s32 @!p2 $0x0  }
0x16: {  	s3 =	sld [smem:$0x3FDB];
	s0 =	simm.s32 @p2 $0x1  }
0x17: {  	s4 =	simm.s32 $0x1BF5;
	[smem:$0x3FB9] =	sst s0  }
0x18: {  	s0 =	sld [smem:$0x3F9C];
	_ =	swait.ge [sflag:s4], $0x0  }
0x19: {  	s7 =	sld [smem:$0x3F9D]  }
0x1a: {  	s8 =	sadd.s32 $0xFFFFE003, lr  }
0x1b: {  	s9 =	sadd.s32 $0xFFFFFEF7, lr;
	s5 =	simm.s32 $0xFFFFFFFF;
	p2 =	slt.u32 s8, $0xFFFFF086  }
0x1c: {  	p1 =	slt.u32 s9, $0xF7A;
	s5 =	simm.s32 @!p2 $0x0  }
0x1d: {  	s5 =	simm.s32 @p1 $0x1;
	p0 =	seq.s32 s7, s2  }
0x1e: {  	s7 =	smul.u32 @!p0 $0xF7A, s2;
	p2 =	seq.s32 @!p0 s5, $0x0  }
0x1f: {  	s9 =	smul.u32 $0xF7A, s1;
	s8 =	simm.s32 @!p0 $0x1BF5;
	p2 =	por !p2, p0  }
0x20: {  	[sflag:s8] =	ssyncset.s32 @!p0 $0xFFFFF086;
	s6 =	sadd.s32 @!p0 s3, s7;
	s7 =	simm.s32 @!p0 $0x108  }
0x21: {  	s3 =	sadd.s32 s3, s9;
	s6 =	sadd.s32 @!p0 $0x88, s6;
	s7 =	simm.s32 @p2 $0x1082  }
0x22: {  	[simem:s7], [sflag:s8] =	dma.local @!p0 [hbm:s6], $0xF7A  }
0x23: {  	s9 =	sor.u32 $0xD0000000, s2;
	s6 =	simm.s32 $0x108;
	_ =	swait.ge @!p0 [sflag:s8], $0x0  }
0x24: {  	s3 =	sadd.s32 $0x88, s3;
	s6 =	simm.s32 @!p1 $0x1082;
	[sflag:s4] =	ssyncset.s32 $0xFFFFF086  }
0x25: {  	[simem:s6], [sflag:s4] =	dma.local [hbm:s3], $0xF7A  }
0x26: {  	[smem:$0x3F9D] =	sst s1;
	(tag) =	ssettag s2;
	_ =	strace s9  }
0x27: {  	s1 =	sld [smem:$0x3FAD]  }
0x28: {  	s2 =	sld [smem:$0x3FAE]  }
0x29: {  	s4 =	sld [smem:$0x3FB0]  }
0x2a: {  	p0 =	seq.s32 s5, $0x0;
	s5 =	sld [smem:$0x3FB1]  }
0x2b: {  	s6 =	sld [smem:$0x3FB2]  }
0x2c: {  	s7 =	sld [smem:$0x3FB3]  }
0x2d: {  	s3 =	simm.s32 $0x108;
	s8 =	sld [smem:$0x3FB4]  }
0x2e: {  	s3 =	simm.s32 @!p0 $0x1082;
	s9 =	sld [smem:$0x3FB5]  }
0x2f: {  	lr =	sadd.s32 s0, s3;
	s0 =	sld [smem:$0x3FAC]  }
0x30: {  	s3 =	sld [smem:$0x3FAF]  }
0x31: {  	[smem:$0x3FB8] =	sst s10  }
0x32: {  	s10 =	sld [smem:$0x3FB6];
	_ =	sdelay $0x3  }
0x33: {  	p0 =	seq.s32 s10, $0x1;
	s10 =	sld [smem:$0x3FB8];
	_ =	sdelay $0x3  }
0x34: {  	[smem:$0x3FB8] =	sst s10  }
0x35: {  	s10 =	sld [smem:$0x3FB7];
	_ =	sdelay $0x3  }
0x36: {  	p1 =	seq.s32 s10, $0x1;
	s10 =	sld [smem:$0x3FB8];
	_ =	sdelay $0x3  }
0x37: {  	[smem:$0x3FB8] =	sst s10  }
0x38: {  	s10 =	sld [smem:$0x3FB9]  }
0x39: {  	_ = 	snop;
	(pc) =	sbr.ind lr, $3  }
0x3a: {  	_ = 	snop  }
0x3b: {  	_ = 	snop  }
0x3c: {  	p2 =	seq.s32 s10, $0x1;
	s10 =	sld [smem:$0x3FB8]  }
0x3d: {  	_ =	shalt  }
0x3e: {  	_ =	shalt  }
0x3f: {  	_ =	shalt  }
0x40: {  	_ =	shalt  }
0x41: {  	_ =	shalt  }
0x42: {  	_ =	shalt  }
0x43: {  	_ =	shalt  }
0x44: {  	_ =	shalt  }
0x45: {  	_ =	shalt  }
0x46: {  	_ =	shalt  }
0x47: {  	_ =	shalt  }
0x48: {  	_ =	shalt  }
0x49: {  	_ =	shalt  }
0x4a: {  	_ =	shalt  }
0x4b: {  	_ =	shalt  }
0x4c: {  	_ =	shalt  }
0x4d: {  	_ =	shalt  }
0x4e: {  	_ =	shalt  }
0x4f: {  	_ =	shalt  }
0x50: {  	_ =	shalt  }
0x51: {  	_ =	shalt  }
0x52: {  	_ =	shalt  }
0x53: {  	_ =	shalt  }
0x54: {  	_ =	shalt  }
0x55: {  	_ =	shalt  }
0x56: {  	_ =	shalt  }
0x57: {  	_ =	shalt  }
0x58: {  	_ =	shalt  }
0x59: {  	_ =	shalt  }
0x5a: {  	_ =	shalt  }
0x5b: {  	_ =	shalt  }
0x5c: {  	_ =	shalt  }
0x5d: {  	_ =	shalt  }
0x5e: {  	_ =	shalt  }
0x5f: {  	_ =	shalt  }
0x60: {  	_ =	shalt  }
0x61: {  	_ =	shalt  }
0x62: {  	_ =	shalt  }
0x63: {  	_ =	shalt  }
0x64: {  	_ =	shalt  }
0x65: {  	_ =	shalt  }
0x66: {  	_ =	shalt  }
0x67: {  	_ =	shalt  }
0x68: {  	_ =	shalt  }
0x69: {  	_ =	shalt  }
0x6a: {  	_ =	shalt  }
0x6b: {  	_ =	shalt  }
0x6c: {  	_ =	shalt  }
0x6d: {  	_ =	shalt  }
0x6e: {  	_ =	shalt  }
0x6f: {  	_ =	shalt  }
0x70: {  	_ =	shalt  }
0x71: {  	_ =	shalt  }
0x72: {  	_ =	shalt  }
0x73: {  	_ =	shalt  }
0x74: {  	_ =	shalt  }
0x75: {  	_ =	shalt  }
0x76: {  	_ =	shalt  }
0x77: {  	_ =	shalt  }
0x78: {  	_ =	shalt  }
0x79: {  	_ =	shalt  }
0x7a: {  	_ =	shalt  }
0x7b: {  	_ =	shalt  }
0x7c: {  	_ =	shalt  }
0x7d: {  	_ =	shalt  }
0x7e: {  	_ =	shalt  }
0x7f: {  	_ =	shalt  }
0x80: {  	_ =	shalt  }
0x81: {  	_ =	shalt  }
0x82: {  	_ =	shalt  }
0x83: {  	_ =	shalt  }
0x84: {  	_ =	shalt  }
0x85: {  	_ =	shalt  }
0x86: {  	_ =	shalt  }
0x87: {  	_ =	shalt  }
.Lfunc_end0:
.L_simem_size_0:
called_computation_lowered:
.L_overlay_start_0:
0x88: {  	s2 =	sld [smem:$0x3FD9]  }
0x89: {  	s3 =	sld [smem:$0x3FFE];
	_ =	sdelay $0x1  }
0x8a: {  	s1 =	srdreg.scid  }
0x8b: {  	s0 =	sand.u32 $0x1, s1  }
0x8c: {  	s17 =	sshll.u32 s0, $0xA;
	s2 =	sadd.s32 s3, s2  }
0x8d: {  	s2 =	sadd.s32 s2, s17  }
0x8e: {  	[smem:$0x3FC4] =	sst s2  }
0x8f: {  	_ = 	snop  }
0x90: {  	s2 =	sld [smem:$0x3FD0];
	(tm) =	ssettm $0x1  }
0x91: {  	s18 =	sld [smem:$0x3FFB];
	_ =	sdelay $0x3  }
0x92: {  	_ =	strace s18  }
0x93: {  	s3 =	sld [smem:$0x3FFC];
	_ =	sdelay $0x3  }
0x94: {  	_ =	strace s3  }
0x95: {  	s3 =	sld [smem:$0x3FFD];
	_ =	sdelay $0x3  }
0x96: {  	_ =	strace s3  }
0x97: {  	_ =	strace $0x8FFFFFFF  }
0x98: {  	s19 =	sld [smem:$0x3FDB];
	_ =	sdelay $0x1  }
0x99: {  	s4 =	simm.s32 $_scs_section_size  }
0x9a: {  	s5 =	simm.s32 $_size__tile_overlayer_lowered;
	s6 =	simm.s32 $_tile_overlayer_lowered  }
0x9b: {  	s22 =	simm.s32 $0x1BFF;
	s21 =	sshll.u32 s6, $0x1;
	s3 =	sadd.s32 s4, s19  }
0x9c: {  	s7 =	simm.s32 $0x0;
	s20 =	sshll.u32 s5, $0x1;
	s5 =	sadd.s32 s21, s3  }
0x9d: {  	[timem:s7], [sflag:s22] =	dma.local [hbm:s5], s20  }
0x9e: {  	_ =	swait.ge [sflag:s22], s20  }
0x9f: {  	s4 =	ssub.s32 $0x0, s20;
	[sflag:s22] =	ssyncset.done $0x0  }
0xa0: {  	[sflag:s22] =	ssyncadd.s32 s4;
	_ =	sdelay $0x1  }
0xa1: {  	s23 =	simm.s32 $0x1B8B  }
0xa2: {  	_ =	swait.ge [sflag:s23], $0x1  }
0xa3: {  	[sflag:s23] =	ssyncset.done $0x0  }
0xa4: {  	s25 =	simm.s32 $0x1B8E;
	s24 =	sld [smem:$0x3FFE];
	[sflag:s23] =	ssyncadd.s32 $0xFFFFFFFF  }
0xa5: {  	s26 =	simm.s32 $execute0_lowered;
	[smem:$0x3FD2] =	sst s25  }
0xa6: {  	s5 =	sshll.u32 s26, $0x1;
	_ =	strace $0x80000046;
	[dreg:$0x1] =	wrdreg $0xFFFFFFFF  }
0xa7: {  	s28 =	simm.s32 $_size_execute0_lowered;
	s3 =	sadd.s32 s3, s5;
	[dreg:$0x0] =	wrdreg $0x0  }
0xa8: {  	s5 =	sshll.u32 s28, $0x1;
	[dreg:$0x2] =	wrdreg s3  }
0xa9: {  	[dreg:$0x3] =	wrdreg s5  }
0xaa: {  	[dreg:$0x4] =	wrdreg $0xC0  }
0xab: {  	_ =	task [dreg:s7], $0x5FFFF  }
0xac: {  	[dreg:$0x1] =	wrdreg $0xFFFFFFFF  }
0xad: {  	[dreg:$0x0] =	wrdreg $0x60  }
0xae: {  	[dreg:$0x2] =	wrdreg s2  }
0xaf: {  	[dreg:$0x3] =	wrdreg s24  }
0xb0: {  	[dreg:$0x4] =	wrdreg $0x1BD800  }
0xb1: {  	[dreg:$0x5] =	wrdreg $0x1D6800  }
0xb2: {  	[dreg:$0x6] =	wrdreg $0x9  }
0xb3: {  	_ =	task.clear_ibuf [dreg:s7], $0x7FFFF;
	_ =	strace $0x90000046  }
0xb4: {  	s29 =	simm.s32 $0x9;
	_ =	strace $0x80000048  }
0xb5: {  	_ =	swait.ge [sflag:s29], $0x1  }
0xb6: {  	[sflag:s29] =	ssyncadd.s32 $0xFFFFFFFF  }
0xb7: {  	_ =	strace $0x90000048  }
0xb8: {  	_ =	sfence  }
0xb9: {  	s30 =	sld [smem:$0x0];
	_ =	sdelay $0x2  }
0xba: {  	s31 =	sshll.u32 s1, $0xD;
	s1 =	sshrl.u32 s1, $0x2  }
0xbb: {  	s3 =	sand.u32 $0x4000, s31;
	s1 =	sadd.s32 s1, s30  }
0xbc: {  	s0 =	sor.u32 s3, s0;
	s1 =	sshll.u32 s1, $0x11  }
0xbd: {  	s0 =	sor.u32 s1, s0  }
0xbe: {  	s0 =	sadd.s32 $0x8F2B, s0  }
0xbf: {  	[sflag:s0] =	ssyncadd.remote.s32 $0x1  }
0xc0: {  	_ =	sfence.sel $0xFFFF  }
0xc1: {  	[dreg:$0x0] =	wrdreg $0xFFFFFFFF;
	(pc) =	sbr.abs _section_cstart, $3  }
0xc2: {  	[dreg:$0x1] =	wrdreg $0xFFFFFFFF  }
0xc3: {  	_ =	task.clear_ibuf [dreg:s7], $0x2FFFF;
	_ =	strace $0x9FFFFFFF  }
0xc4: {  	(tm) =	ssettm $0x7FFFFFFF  }
0xc5: {  	_ =	shalt  }
tec
execute0_lowered:
.L_overlay_start_1:
0x0: {  	(tag) =	ssettag $0x1  }
0x1: {  	s0 =	rddreg [dreg:$0x1]  }
0x2: {  	s2 =	rddreg [dreg:$0x2]  }
0x3: {  	s3 =	rddreg [dreg:$0x3];
	s4 =	simm.s32 $0x0;
	s1 =	srdreg.scid  }
0x4: {  	s8 =	stileid.u32;
	s28 =	simm.s32 $0x4;
	s29 =	simm.s32 $0x18700  }
0x5: {  	s30 =	simm.s32 $0x18F00;
	s31 =	simm.s32 $0x1;
	[smem:$0x7FF] =	sst s4  }
0x6: {  	s1 =	sand.u32 $0x1, s1;
	s6 =	sadd.s32 $0xE00, s0;
	s14 =	smul.u32 $0x1900, s8  }
0x7: {  	s0 =	sadd.s32 $0xC4600, s0;
	s17 =	sshll.u32 s8, $0x1;
	s5 =	ssub.s32 $0x2, s1  }
0x8: {  	_ =	strace $0x80000047;
	s7 =	sshrl.u32 s5, $0x1;
	s25 =	sadd.s32 s14, s2  }
0x9: {  	s18 =	sadd.s32 s14, s3;
	s15 =	sadd.s32 $0x640, s14;
	s16 =	sadd.s32 $0xC80, s14  }
0xa: {  	s5 =	ssub.s32 s5, s7;
	s7 =	sor.u32 s1, s17;
	[dreg:$0x5] =	wrdreg s18  }
0xb: {  	s1 =	smul.u32 $0x32000, s1;
	s9 =	sadd.s32 s15, s2;
	s10 =	sadd.s32 s15, s3  }
0xc: {  	s11 =	sadd.s32 s16, s2;
	s12 =	sadd.s32 s16, s3;
	s17 =	sadd.s32 $0x12C0, s14  }
0xd: {  	s13 =	sadd.s32 s17, s2;
	s18 =	sadd.s32 $0x19000, s1;
	s19 =	sadd.s32 s14, s1  }
0xe: {  	s21 =	sadd.s32 s1, s15;
	s23 =	sadd.s32 s1, s16;
	s1 =	sadd.s32 s1, s17  }
0xf: {  	s20 =	sadd.s32 s14, s18;
	s22 =	sadd.s32 s15, s18;
	s16 =	sadd.s32 s16, s18  }
0x10: {  	s18 =	sadd.s32 s17, s18;
	s14 =	sadd.s32 s17, s3;
	s19 =	sshrl.u32 s19, $0x3  }
0x11: {  	s15 =	smul.u32 $0x186A0, s7;
	s17 =	sshrl.u32 s21, $0x3;
	s1 =	sshrl.u32 s1, $0x3  }
0x12: {  	s24 =	sshrl.u32 s20, $0x3;
	s26 =	sadd.s32 s0, s19;
	s19 =	sshrl.u32 s22, $0x3  }
0x13: {  	s20 =	sshrl.u32 s23, $0x3;
	s7 =	sadd.s32 s0, s17;
	s23 =	sshrl.u32 s16, $0x3  }
0x14: {  	s1 =	sadd.s32 s0, s1;
	s16 =	simm.s32 $0x19700;
	[dreg:$0x6] =	wrdreg s26  }
0x15: {  	s17 =	simm.s32 $0x1A700;
	s8 =	sadd.s32 s0, s24;
	[dreg:$0x8] =	wrdreg s7  }
0x16: {  	s21 =	sadd.s32 s0, s19;
	s22 =	sadd.s32 s0, s20;
	[dreg:$0xc] =	wrdreg s1  }
0x17: {  	s24 =	sshrl.u32 s18, $0x3;
	s7 =	sadd.s32 s0, s23;
	[dreg:$0x7] =	wrdreg s8  }
0x18: {  	s26 =	smax.u32 s5, $0x1;
	s5 =	simm.s32 $0x19F00;
	[dreg:$0x9] =	wrdreg s21  }
0x19: {  	s1 =	simm.s32 $0x1AF00;
	s18 =	simm.s32 $0x2;
	[dreg:$0xa] =	wrdreg s22  }
0x1a: {  	s19 =	simm.s32 $0x3;
	s20 =	simm.s32 $0x0;
	[dreg:$0xb] =	wrdreg s7  }
0x1b: {  	s0 =	sadd.s32 s0, s24;
	s24 =	sadd.s32 $0x7D0, s15;
	[dreg:$0xe] =	wrdreg s26  }
0x1c: {  	v0 =	vimm.f32 $0.0e+00;
	v1 =	vimm.f32 $1.000000000e+00;
	s26 =	simm.s32 $0x1B700;
	[dreg:$0xd] =	wrdreg s0;
	s0 =	simm.s32 $0x7D0  }
.LBB2_1:
0x1d: {  	s7 =	simm.s32 $0x0  }
.LBB2_2:
0x1e: {  	p0 =	sne.s32 s7, $0x18C0  }
.Ltmp0:
0x1f: {  	_ = 	snop;
	(pc) =	sbr.rel @p0 .LBB2_2-.Ltmp0, $3  }
0x20: {  	_ =	sdelay $0x1  }
0x21: {  	s21 =	sshra.s32 s7, $0x2  }
0x22: {  	s7 =	sadd.s32 $0x40, s7;
	[tilespmem:s21+$0x1B700] =	vst v0  }
0x23: {  	s7 =	simm.s32 $0x40;
	s21 =	simm.s32 $0x0  }
.LBB2_4:
0x24: {  	p0 =	sne.s32 s7, $0x1F00;
	[tilespmem:s21+$0x1AF00] =	vst v1;
	s21 =	smov.u32 s7;
	s7 =	sadd.s32 $0x40, s7  }
.Ltmp1:
0x25: {  	(pc) =	sbr.rel @p0 .LBB2_4-.Ltmp1, $2  }
0x26: {  	_ =	sdelay $0x2  }
0x27: {  	s21 =	sshra.s32 s21, $0x2  }
0x28: {  	[tilespmem:s21+$0x1AF00] =	vst v1  }
0x29: {  	[spmem:s25] =	stream.linear.scatter [tilespmem:s26], [sflag:$0x4], $0x640, $0x38;
	[tilespmem:$0x1EF80] =	vst v63  }
0x2a: {  	_ =	swait.ge [sflag:s28], $0x640  }
0x2b: {  	[sflag:s28] =	ssyncset.done $0x0  }
0x2c: {  	s7 =	rddreg [dreg:$0x5];
	[sflag:s28] =	ssyncadd.s32 $0xFFFFF9C0  }
0x2d: {  	[spmem:s7] =	stream.linear.scatter [tilespmem:s26], [sflag:$0x4], $0x640, $0x38;
	[tilespmem:$0x1EF80] =	vst v63  }
0x2e: {  	_ =	swait.ge [sflag:s28], $0x640  }
0x2f: {  	[sflag:s28] =	ssyncset.done $0x0  }
0x30: {  	[sflag:s28] =	ssyncadd.s32 $0xFFFFF9C0  }
0x31: {  	[spmem:s9] =	stream.linear.scatter [tilespmem:s26], [sflag:$0x4], $0x640, $0x38;
	[tilespmem:$0x1EF80] =	vst v63  }
0x32: {  	_ =	swait.ge [sflag:s28], $0x640  }
0x33: {  	[sflag:s28] =	ssyncset.done $0x0  }
0x34: {  	[sflag:s28] =	ssyncadd.s32 $0xFFFFF9C0  }
0x35: {  	[spmem:s10] =	stream.linear.scatter [tilespmem:s26], [sflag:$0x4], $0x640, $0x38;
	[tilespmem:$0x1EF80] =	vst v63  }
0x36: {  	_ =	swait.ge [sflag:s28], $0x640  }
0x37: {  	[sflag:s28] =	ssyncset.done $0x0  }
0x38: {  	[sflag:s28] =	ssyncadd.s32 $0xFFFFF9C0  }
0x39: {  	[spmem:s11] =	stream.linear.scatter [tilespmem:s26], [sflag:$0x4], $0x640, $0x38;
	[tilespmem:$0x1EF80] =	vst v63  }
0x3a: {  	_ =	swait.ge [sflag:s28], $0x640  }
0x3b: {  	[sflag:s28] =	ssyncset.done $0x0  }
0x3c: {  	[sflag:s28] =	ssyncadd.s32 $0xFFFFF9C0  }
0x3d: {  	[spmem:s12] =	stream.linear.scatter [tilespmem:s26], [sflag:$0x4], $0x640, $0x38;
	[tilespmem:$0x1EF80] =	vst v63  }
0x3e: {  	_ =	swait.ge [sflag:s28], $0x640  }
0x3f: {  	[sflag:s28] =	ssyncset.done $0x0  }
0x40: {  	[sflag:s28] =	ssyncadd.s32 $0xFFFFF9C0  }
0x41: {  	[spmem:s13] =	stream.linear.scatter [tilespmem:s26], [sflag:$0x4], $0x640, $0x38;
	[tilespmem:$0x1EF80] =	vst v63  }
0x42: {  	_ =	swait.ge [sflag:s28], $0x640  }
0x43: {  	[sflag:s28] =	ssyncset.done $0x0  }
0x44: {  	[sflag:s28] =	ssyncadd.s32 $0xFFFFF9C0  }
0x45: {  	[spmem:s14] =	stream.linear.scatter [tilespmem:s26], [sflag:$0x4], $0x640, $0x38;
	[tilespmem:$0x1EF80] =	vst v63  }
0x46: {  	_ =	swait.ge [sflag:s28], $0x640  }
0x47: {  	[sflag:s28] =	ssyncset.done $0x0  }
0x48: {  	[sflag:s28] =	ssyncadd.s32 $0xFFFFF9C0  }
0x49: {  	s8 =	smov.u32 s25;
	s21 =	simm.s32 $0x0;
	s25 =	rddreg [dreg:$0x0]  }
0x4a: {  	[tilespmem:s21], [sflag:$0x4] =	stream.linear.gather [hbm4b:s25+s21], $0x18700, $0x38;
	[tilespmem:$0x1EF80] =	vst v63  }
0x4b: {  	_ =	swait.ge [sflag:s28], $0x18700  }
0x4c: {  	[sflag:s28] =	ssyncset.done $0x0  }
0x4d: {  	[sflag:s28] =	ssyncadd.s32 $0xFFFE7900  }
0x4e: {  	[bflag:$0x0] =	sbarrier.arrive $0xFFFF  }
.LBB2_6:
0x4f: {  	p0 =	seq.s32 s21, $0x0  }
0x50: {  	s7 =	simm.s32 @!p0 $0x2  }
0x51: {  	_ =	swait.ge @!p0 [sflag:s7], $0x7D0  }
0x52: {  	s22 =	smul.u32 $0xFA0, s21;
	[sflag:s7] =	ssyncset.done @!p0 $0x0  }
0x53: {  	[sflag:s7] =	ssyncadd.s32 @!p0 $0xFFFFF830  }
0x54: {  	s23 =	sadd.s32 s15, s22;
	_ =	swait.ge @!p0 [sflag:s7], $0x7D0  }
0x55: {  	s23 =	sshrl.u32 s23, $0x3;
	[sflag:s7] =	ssyncset.done @!p0 $0x0  }
0x56: {  	s25 =	sadd.s32 s6, s23;
	[sflag:s7] =	ssyncadd.s32 @!p0 $0xFFFFF830  }
0x57: {  	[tilespmem:s29], [sflag:$0x1] =	stream.linear.gather [hbm4b:s25+s4], $0x7D0, $0x38;
	[tilespmem:$0x1EF80] =	vst v63  }
0x58: {  	s7 =	sadd.s32 $0x61A80, s25  }
0x59: {  	[tilespmem:s30], [sflag:$0x1] =	stream.linear.gather [hbm4b:s7+s4], $0x7D0, $0x38;
	[tilespmem:$0x1EF80] =	vst v63  }
0x5a: {  	_ =	swait.ge [sflag:s31], $0x7D0  }
0x5b: {  	[sflag:s31] =	ssyncset.done $0x0  }
0x5c: {  	[sflag:s31] =	ssyncadd.s32 $0xFFFFF830  }
0x5d: {  	_ =	swait.ge [sflag:s31], $0x7D0  }
0x5e: {  	[sflag:s31] =	ssyncset.done $0x0  }
0x5f: {  	s23 =	simm.s32 $0x18720;
	[sflag:s31] =	ssyncadd.s32 $0xFFFFF830  }
0x60: {  	v2 =	vld [tilespmem:s23+$0x20]  }
0x61: {  	v3 =	vld [tilespmem:s23+$0xFFFFFFF0]  }
0x62: {  	v4 =	vld [tilespmem:s23+$0x0]  }
0x63: {  	v5 =	vld [tilespmem:s23+$0x10]  }
0x64: {  	s25 =	simm.s32 $0x18770;
	v6 =	vld [tilespmem:s23+$0xFFFFFFE0]  }
0x65: {  	v12 =	vld [tilespmem:s25+$0x20]  }
0x66: {  	v13 =	vld [tilespmem:s25+$0xFFFFFFF0]  }
0x67: {  	v7 =	vld [tilespmem:s25+$0xFFFFFFE0]  }
0x68: {  	v10 =	vld.idx.msk [tilespmem:v2+s4+$0x0], $0xffff  }
0x69: {  	v11 =	vld.idx.msk [tilespmem:v3+s4+$0x0], $0xffff  }
0x6a: {  	v3 =	vld [tilespmem:s25+$0x0]  }
0x6b: {  	v2 =	vld [tilespmem:s25+$0x10]  }
0x6c: {  	v9 =	vld.idx.msk [tilespmem:v6+s4+$0x0], $0xffff  }
0x6d: {  	v8 =	vld.idx.msk [tilespmem:v4+s4+$0x0], $0xffff  }
0x6e: {  	s23 =	simm.s32 $0x19F20;
	v5 =	vld.idx.msk [tilespmem:v5+s4+$0x0], $0xffff  }
0x6f: {  	v4 =	vld.idx.msk [tilespmem:v12+s4+$0x0], $0xffff;
	[tilespmem:s23+$0x20] =	vst v10  }
0x70: {  	s7 =	simm.s32 $0x187C0;
	s25 =	simm.s32 $0x5;
	v6 =	vld.idx.msk [tilespmem:v13+s4+$0x0], $0xffff;
	[tilespmem:s23+$0xFFFFFFF0] =	vst v11  }
.LBB2_7:
0x71: {  	v10 =	vld [tilespmem:s7+$0x20];
	s25 =	sadd.s32 $0x5, s25  }
0x72: {  	v11 =	vld [tilespmem:s7+$0xFFFFFFF0];
	p1 =	slt.u32 s25, $0x78;
	[tilespmem:s23+$0xFFFFFFE0] =	vst v9  }
0x73: {  	v12 =	vld [tilespmem:s7+$0x0];
	[tilespmem:s23+$0x0] =	vst v8  }
0x74: {  	v13 =	vld [tilespmem:s7+$0x10];
	[tilespmem:s23+$0x10] =	vst v5;
	s23 =	sadd.s32 $0x50, s23  }
0x75: {  	v14 =	vld [tilespmem:s7+$0xFFFFFFE0];
	[tilespmem:s23+$0x20] =	vst v4  }
.Ltmp2:
0x76: {  	v9 =	vld.idx.msk [tilespmem:v7+s4+$0x0], $0xffff;
	[tilespmem:s23+$0xFFFFFFF0] =	vst v6;
	(pc) =	sbr.rel @p1 .LBB2_7-.Ltmp2, $4  }
0x77: {  	v8 =	vld.idx.msk [tilespmem:v3+s4+$0x0], $0xffff  }
0x78: {  	v5 =	vld.idx.msk [tilespmem:v2+s4+$0x0], $0xffff;
	v3 =	vmov v12  }
0x79: {  	v4 =	vld.idx.msk [tilespmem:v10+s4+$0x0], $0xffff;
	v2 =	vmov v13  }
0x7a: {  	s7 =	sadd.s32 $0x50, s7;
	v6 =	vld.idx.msk [tilespmem:v11+s4+$0x0], $0xffff;
	v7 =	vmov v14  }
0x7b: {  	_ =	sdelay $0x3  }
0x7c: {  	[tilespmem:s23+$0xFFFFFFE0] =	vst v9;
	v7 =	vld.idx.msk [tilespmem:v7+s4+$0x0], $0xffff  }
0x7d: {  	v3 =	vld.idx.msk [tilespmem:v3+s4+$0x0], $0xffff;
	[tilespmem:s23+$0x0] =	vst v8  }
0x7e: {  	s7 =	sadd.s32 $0x50, s23;
	v2 =	vld.idx.msk [tilespmem:v2+s4+$0x0], $0xffff;
	[tilespmem:s23+$0x10] =	vst v5  }
0x7f: {  	[tilespmem:s7+$0x20] =	vst v4  }
0x80: {  	[tilespmem:s7+$0xFFFFFFF0] =	vst v6  }
0x81: {  	[tilespmem:s7+$0xFFFFFFE0] =	vst v7  }
0x82: {  	[tilespmem:s7+$0x0] =	vst v3  }
0x83: {  	[tilespmem:s7+$0x10] =	vst v2  }
0x84: {  	[spmem:s2] =	stream.indirect.scatter.add.f32 [tilespmem:s5], [sflag:$0x2], $0x1, s30, s0, $0xb8;
	[tilespmem:$0x1EF80] =	vst v63  }
0x85: {  	s7 =	simm.s32 @!p0 $0x3  }
0x86: {  	[spmem:s3] =	stream.indirect.scatter.add.f32 [tilespmem:s1], [sflag:$0x2], $0x1, s30, s0, $0xb8;
	[tilespmem:$0x1EF80] =	vst v63  }
0x87: {  	_ =	swait.ge @!p0 [sflag:s7], $0x7D0  }
0x88: {  	[sflag:s7] =	ssyncset.done @!p0 $0x0  }
0x89: {  	[sflag:s7] =	ssyncadd.s32 @!p0 $0xFFFFF830  }
0x8a: {  	s22 =	sadd.s32 s24, s22;
	_ =	swait.ge @!p0 [sflag:s7], $0x7D0  }
0x8b: {  	s22 =	sshrl.u32 s22, $0x3;
	[sflag:s7] =	ssyncset.done @!p0 $0x0  }
0x8c: {  	s22 =	sadd.s32 s6, s22;
	[sflag:s7] =	ssyncadd.s32 @!p0 $0xFFFFF830  }
0x8d: {  	[tilespmem:s29], [sflag:$0x1] =	stream.linear.gather [hbm4b:s22+s4], $0x7D0, $0x38;
	[tilespmem:$0x1EF80] =	vst v63  }
0x8e: {  	s7 =	sadd.s32 $0x61A80, s22  }
0x8f: {  	[tilespmem:s16], [sflag:$0x1] =	stream.linear.gather [hbm4b:s7+s4], $0x7D0, $0x38;
	[tilespmem:$0x1EF80] =	vst v63  }
0x90: {  	_ =	swait.ge [sflag:s31], $0x7D0  }
0x91: {  	[sflag:s31] =	ssyncset.done $0x0  }
0x92: {  	[sflag:s31] =	ssyncadd.s32 $0xFFFFF830  }
0x93: {  	_ =	swait.ge [sflag:s31], $0x7D0  }
0x94: {  	[sflag:s31] =	ssyncset.done $0x0  }
0x95: {  	s23 =	simm.s32 $0x18720;
	[sflag:s31] =	ssyncadd.s32 $0xFFFFF830  }
0x96: {  	v2 =	vld [tilespmem:s23+$0x20]  }
0x97: {  	v3 =	vld [tilespmem:s23+$0xFFFFFFF0]  }
0x98: {  	v4 =	vld [tilespmem:s23+$0x0]  }
0x99: {  	v5 =	vld [tilespmem:s23+$0x10]  }
0x9a: {  	s25 =	simm.s32 $0x18770;
	v6 =	vld [tilespmem:s23+$0xFFFFFFE0]  }
0x9b: {  	v12 =	vld [tilespmem:s25+$0x20]  }
0x9c: {  	v13 =	vld [tilespmem:s25+$0xFFFFFFF0]  }
0x9d: {  	v7 =	vld [tilespmem:s25+$0xFFFFFFE0]  }
0x9e: {  	v10 =	vld.idx.msk [tilespmem:v2+s4+$0x0], $0xffff  }
0x9f: {  	v11 =	vld.idx.msk [tilespmem:v3+s4+$0x0], $0xffff  }
0xa0: {  	v3 =	vld [tilespmem:s25+$0x0]  }
0xa1: {  	v2 =	vld [tilespmem:s25+$0x10]  }
0xa2: {  	v9 =	vld.idx.msk [tilespmem:v6+s4+$0x0], $0xffff  }
0xa3: {  	v8 =	vld.idx.msk [tilespmem:v4+s4+$0x0], $0xffff  }
0xa4: {  	s22 =	simm.s32 $0x1A720;
	v5 =	vld.idx.msk [tilespmem:v5+s4+$0x0], $0xffff  }
0xa5: {  	v4 =	vld.idx.msk [tilespmem:v12+s4+$0x0], $0xffff;
	[tilespmem:s22+$0x20] =	vst v10  }
0xa6: {  	s7 =	simm.s32 $0x187C0;
	s23 =	simm.s32 $0x5;
	v6 =	vld.idx.msk [tilespmem:v13+s4+$0x0], $0xffff;
	[tilespmem:s22+$0xFFFFFFF0] =	vst v11  }
.LBB2_9:
0xa7: {  	v10 =	vld [tilespmem:s7+$0x20];
	s23 =	sadd.s32 $0x5, s23  }
0xa8: {  	v11 =	vld [tilespmem:s7+$0xFFFFFFF0];
	p0 =	slt.u32 s23, $0x78;
	[tilespmem:s22+$0xFFFFFFE0] =	vst v9  }
0xa9: {  	v12 =	vld [tilespmem:s7+$0x0];
	[tilespmem:s22+$0x0] =	vst v8  }
0xaa: {  	v13 =	vld [tilespmem:s7+$0x10];
	[tilespmem:s22+$0x10] =	vst v5;
	s22 =	sadd.s32 $0x50, s22  }
0xab: {  	v14 =	vld [tilespmem:s7+$0xFFFFFFE0];
	[tilespmem:s22+$0x20] =	vst v4  }
.Ltmp3:
0xac: {  	v9 =	vld.idx.msk [tilespmem:v7+s4+$0x0], $0xffff;
	[tilespmem:s22+$0xFFFFFFF0] =	vst v6;
	(pc) =	sbr.rel @p0 .LBB2_9-.Ltmp3, $4  }
0xad: {  	v8 =	vld.idx.msk [tilespmem:v3+s4+$0x0], $0xffff  }
0xae: {  	v5 =	vld.idx.msk [tilespmem:v2+s4+$0x0], $0xffff;
	v3 =	vmov v12  }
0xaf: {  	v4 =	vld.idx.msk [tilespmem:v10+s4+$0x0], $0xffff;
	v2 =	vmov v13  }
0xb0: {  	s7 =	sadd.s32 $0x50, s7;
	v6 =	vld.idx.msk [tilespmem:v11+s4+$0x0], $0xffff;
	v7 =	vmov v14  }
0xb1: {  	_ =	sdelay $0x3  }
0xb2: {  	[tilespmem:s22+$0xFFFFFFE0] =	vst v9;
	v7 =	vld.idx.msk [tilespmem:v7+s4+$0x0], $0xffff  }
0xb3: {  	v3 =	vld.idx.msk [tilespmem:v3+s4+$0x0], $0xffff;
	[tilespmem:s22+$0x0] =	vst v8  }
0xb4: {  	s7 =	sadd.s32 $0x50, s22;
	v2 =	vld.idx.msk [tilespmem:v2+s4+$0x0], $0xffff;
	[tilespmem:s22+$0x10] =	vst v5  }
0xb5: {  	[tilespmem:s7+$0x20] =	vst v4  }
0xb6: {  	s21 =	sadd.s32 $0x1, s21;
	[tilespmem:s7+$0xFFFFFFF0] =	vst v6  }
0xb7: {  	p0 =	sne.s32 s21, $0x19;
	[tilespmem:s7+$0xFFFFFFE0] =	vst v7  }
.Ltmp4:
0xb8: {  	[tilespmem:s7+$0x0] =	vst v3;
	(pc) =	sbr.rel @p0 .LBB2_6-.Ltmp4, $4  }
0xb9: {  	[tilespmem:s7+$0x10] =	vst v2  }
0xba: {  	[spmem:s2] =	stream.indirect.scatter.add.f32 [tilespmem:s17], [sflag:$0x3], $0x1, s16, s0, $0xb8;
	[tilespmem:$0x1EF80] =	vst v63  }
0xbb: {  	_ = 	snop  }
0xbc: {  	[spmem:s3] =	stream.indirect.scatter.add.f32 [tilespmem:s1], [sflag:$0x3], $0x1, s16, s0, $0xb8;
	[tilespmem:$0x1EF80] =	vst v63  }
0xbd: {  	_ =	swait.ge [sflag:s18], $0x7D0  }
0xbe: {  	[sflag:s18] =	ssyncset.done $0x0  }
0xbf: {  	[sflag:s18] =	ssyncadd.s32 $0xFFFFF830  }
0xc0: {  	_ =	swait.ge [sflag:s18], $0x7D0  }
0xc1: {  	[sflag:s18] =	ssyncset.done $0x0  }
0xc2: {  	[sflag:s18] =	ssyncadd.s32 $0xFFFFF830  }
0xc3: {  	_ =	swait.ge [sflag:s19], $0x7D0  }
0xc4: {  	[sflag:s19] =	ssyncset.done $0x0  }
0xc5: {  	[sflag:s19] =	ssyncadd.s32 $0xFFFFF830  }
0xc6: {  	_ =	swait.ge [sflag:s19], $0x7D0  }
0xc7: {  	[sflag:s19] =	ssyncset.done $0x0  }
0xc8: {  	[sflag:s19] =	ssyncadd.s32 $0xFFFFF830  }
0xc9: {  	[bflag:$0x0] =	sbarrier.arrive $0xFFFF  }
0xca: {  	[tilespmem:s26], [sflag:$0x4] =	stream.linear.gather [spmem:s8], $0x640, $0x38;
	[tilespmem:$0x1EF80] =	vst v63  }
0xcb: {  	_ =	swait.ge [sflag:s28], $0x640  }
0xcc: {  	[sflag:s28] =	ssyncset.done $0x0  }
0xcd: {  	s7 =	rddreg [dreg:$0x6];
	[sflag:s28] =	ssyncadd.s32 $0xFFFFF9C0  }
0xce: {  	[hbm4b:s7+s4] =	stream.linear.scatter [tilespmem:s26], [sflag:$0x4], $0x640, $0x38;
	[tilespmem:$0x1EF80] =	vst v63  }
0xcf: {  	_ =	swait.ge [sflag:s28], $0x640  }
0xd0: {  	[sflag:s28] =	ssyncset.done $0x0  }
0xd1: {  	s23 =	rddreg [dreg:$0x5];
	[sflag:s28] =	ssyncadd.s32 $0xFFFFF9C0  }
0xd2: {  	[tilespmem:s26], [sflag:$0x4] =	stream.linear.gather [spmem:s23], $0x640, $0x38;
	[tilespmem:$0x1EF80] =	vst v63  }
0xd3: {  	_ =	swait.ge [sflag:s28], $0x640  }
0xd4: {  	[sflag:s28] =	ssyncset.done $0x0  }
0xd5: {  	s25 =	smov.u32 s8;
	s8 =	rddreg [dreg:$0x7];
	[sflag:s28] =	ssyncadd.s32 $0xFFFFF9C0  }
0xd6: {  	[hbm4b:s8+s4] =	stream.linear.scatter [tilespmem:s26], [sflag:$0x4], $0x640, $0x38;
	[tilespmem:$0x1EF80] =	vst v63  }
0xd7: {  	_ =	swait.ge [sflag:s28], $0x640  }
0xd8: {  	[sflag:s28] =	ssyncset.done $0x0  }
0xd9: {  	[sflag:s28] =	ssyncadd.s32 $0xFFFFF9C0  }
0xda: {  	[tilespmem:s26], [sflag:$0x4] =	stream.linear.gather [spmem:s9], $0x640, $0x38;
	[tilespmem:$0x1EF80] =	vst v63  }
0xdb: {  	_ =	swait.ge [sflag:s28], $0x640  }
0xdc: {  	[sflag:s28] =	ssyncset.done $0x0  }
0xdd: {  	s21 =	rddreg [dreg:$0x8];
	[sflag:s28] =	ssyncadd.s32 $0xFFFFF9C0  }
0xde: {  	[hbm4b:s21+s4] =	stream.linear.scatter [tilespmem:s26], [sflag:$0x4], $0x640, $0x38;
	[tilespmem:$0x1EF80] =	vst v63  }
0xdf: {  	_ =	swait.ge [sflag:s28], $0x640  }
0xe0: {  	[sflag:s28] =	ssyncset.done $0x0  }
0xe1: {  	[sflag:s28] =	ssyncadd.s32 $0xFFFFF9C0  }
0xe2: {  	[tilespmem:s26], [sflag:$0x4] =	stream.linear.gather [spmem:s10], $0x640, $0x38;
	[tilespmem:$0x1EF80] =	vst v63  }
0xe3: {  	_ =	swait.ge [sflag:s28], $0x640  }
0xe4: {  	[sflag:s28] =	ssyncset.done $0x0  }
0xe5: {  	s22 =	rddreg [dreg:$0x9];
	[sflag:s28] =	ssyncadd.s32 $0xFFFFF9C0  }
0xe6: {  	[hbm4b:s22+s4] =	stream.linear.scatter [tilespmem:s26], [sflag:$0x4], $0x640, $0x38;
	[tilespmem:$0x1EF80] =	vst v63  }
0xe7: {  	_ =	swait.ge [sflag:s28], $0x640  }
0xe8: {  	[sflag:s28] =	ssyncset.done $0x0  }
0xe9: {  	[sflag:s28] =	ssyncadd.s32 $0xFFFFF9C0  }
0xea: {  	[tilespmem:s26], [sflag:$0x4] =	stream.linear.gather [spmem:s11], $0x640, $0x38;
	[tilespmem:$0x1EF80] =	vst v63  }
0xeb: {  	_ =	swait.ge [sflag:s28], $0x640  }
0xec: {  	[sflag:s28] =	ssyncset.done $0x0  }
0xed: {  	s23 =	rddreg [dreg:$0xa];
	[sflag:s28] =	ssyncadd.s32 $0xFFFFF9C0  }
0xee: {  	[hbm4b:s23+s4] =	stream.linear.scatter [tilespmem:s26], [sflag:$0x4], $0x640, $0x38;
	[tilespmem:$0x1EF80] =	vst v63  }
0xef: {  	_ =	swait.ge [sflag:s28], $0x640  }
0xf0: {  	[sflag:s28] =	ssyncset.done $0x0  }
0xf1: {  	[sflag:s28] =	ssyncadd.s32 $0xFFFFF9C0  }
0xf2: {  	[tilespmem:s26], [sflag:$0x4] =	stream.linear.gather [spmem:s12], $0x640, $0x38;
	[tilespmem:$0x1EF80] =	vst v63  }
0xf3: {  	_ =	swait.ge [sflag:s28], $0x640  }
0xf4: {  	[sflag:s28] =	ssyncset.done $0x0  }
0xf5: {  	s8 =	rddreg [dreg:$0xb];
	[sflag:s28] =	ssyncadd.s32 $0xFFFFF9C0  }
0xf6: {  	[hbm4b:s8+s4] =	stream.linear.scatter [tilespmem:s26], [sflag:$0x4], $0x640, $0x38;
	[tilespmem:$0x1EF80] =	vst v63  }
0xf7: {  	_ =	swait.ge [sflag:s28], $0x640  }
0xf8: {  	[sflag:s28] =	ssyncset.done $0x0  }
0xf9: {  	[sflag:s28] =	ssyncadd.s32 $0xFFFFF9C0  }
0xfa: {  	[tilespmem:s26], [sflag:$0x4] =	stream.linear.gather [spmem:s13], $0x640, $0x38;
	[tilespmem:$0x1EF80] =	vst v63  }
0xfb: {  	_ =	swait.ge [sflag:s28], $0x640  }
0xfc: {  	[sflag:s28] =	ssyncset.done $0x0  }
0xfd: {  	s21 =	rddreg [dreg:$0xc];
	[sflag:s28] =	ssyncadd.s32 $0xFFFFF9C0  }
0xfe: {  	[hbm4b:s21+s4] =	stream.linear.scatter [tilespmem:s26], [sflag:$0x4], $0x640, $0x38;
	[tilespmem:$0x1EF80] =	vst v63  }
0xff: {  	_ =	swait.ge [sflag:s28], $0x640  }
0x100: {  	[sflag:s28] =	ssyncset.done $0x0  }
0x101: {  	[sflag:s28] =	ssyncadd.s32 $0xFFFFF9C0  }
0x102: {  	[tilespmem:s26], [sflag:$0x4] =	stream.linear.gather [spmem:s14], $0x640, $0x38;
	[tilespmem:$0x1EF80] =	vst v63  }
0x103: {  	_ =	swait.ge [sflag:s28], $0x640  }
0x104: {  	[sflag:s28] =	ssyncset.done $0x0  }
0x105: {  	s22 =	rddreg [dreg:$0xd];
	[sflag:s28] =	ssyncadd.s32 $0xFFFFF9C0  }
0x106: {  	[hbm4b:s22+s4] =	stream.linear.scatter [tilespmem:s26], [sflag:$0x4], $0x640, $0x38;
	[tilespmem:$0x1EF80] =	vst v63  }
0x107: {  	_ =	swait.ge [sflag:s28], $0x640  }
0x108: {  	s20 =	sadd.s32 $0x1, s20;
	s23 =	rddreg [dreg:$0xe]  }
0x109: {  	p0 =	sne.s32 s20, s23  }
.Ltmp5:
0x10a: {  	_ = 	snop;
	(pc) =	sbr.rel @p0 .LBB2_1-.Ltmp5, $3  }
0x10b: {  	_ =	sdelay $0x1  }
0x10c: {  	[sflag:s28] =	ssyncset.done $0x0  }
0x10d: {  	[sflag:s28] =	ssyncadd.s32 $0xFFFFF9C0  }
0x10e: {  	_ =	sfence.sel $0x180000  }
0x10f: {  	[bflag:$0x0] =	sbarrier.arrive $0xFFFF  }
0x110: {  	_ =	strace $0x90000047  }
0x111: {  	s0 =	stileid.u32;
	[bflag:$0x2] =	sbarrier.arrive $0xFFFF  }
0x112: {  	p0 =	sne.s32 s0, $0x0;
	s0 =	rddreg [dreg:$0x4]  }
0x113: {  	s0 =	sadd.s32 @!p0 $0x100000, s0  }
0x114: {  	[sflag:s0] =	ssyncadd.tile.s32 @!p0 $0x1;
	_ =	shalt  }
.Lfunc_end2:
_tile_overlayer_lowered:
.L_overlay_start_2:
0x115: {  	(tag) =	ssettag $0x2  }
0x116: {  	s0 =	rddreg [dreg:$0x0];
	s2 =	stileid.u32  }
0x117: {  	s1 =	rddreg [dreg:$0x1];
	p0 =	sne.s32 s2, $0x0  }
0x118: {  	s3 =	rddreg [dreg:$0x2];
	[bflag:$0x3] =	sbarrier.arrive $0xFFFF;
	s2 =	simm.s32 @!p0 $0x1C04  }
0x119: {  	[timem:s3], [sflag:s2] =	dma.local @!p0 [hbm:s0], s1  }
0x11a: {  	s0 =	simm.s32 @!p0 $0x4  }
0x11b: {  	_ =	swait.ge @!p0 [sflag:s0], s1  }
0x11c: {  	s1 =	ssub.s32 @!p0 $0x0, s1;
	[sflag:s0] =	ssyncset.done @!p0 $0x0  }
0x11d: {  	[sflag:s0] =	ssyncadd.s32 @!p0 s1  }
0x11e: {  	[bflag:$0x3] =	sbarrier.arrive $0xFFFF  }
0x11f: {  	_ =	shalt  }

</sc_bundles>
